<compile_context>
chip_gen: v7x
topology: tpu7x:2x2x1
jax: 0.10.2.dev20260603
libtpu: 0.0.44.dev20260713+nightly
codegen_flags: <defaults>
</compile_context>

<pallas_src>
import jax
import jax.numpy as jnp
from jax import lax
from jax.experimental import pallas as pl
from jax.experimental.pallas import tpu as pltpu
from jax.experimental.pallas import tpu_sc as plsc

B = 16384
D = 128
NC = 2
NS = 16
L = 16
NW = NC * NS
BPW = B // NW
C = 128
NCHUNK = BPW // C
NBUF = 3
UNROLL = 4


def _mf_body(users_hbm, items_hbm, utab_hbm, itab_hbm, out_hbm,
             uidx_v, iidx_v, urows_v, irows_v, out_v,
             sem_u0, sem_u1, sem_u2, sem_i0, sem_i1, sem_i2):
    wid = lax.axis_index("s") * NC + lax.axis_index("c")
    base = wid * BPW

    cui = pltpu.async_copy(users_hbm.at[pl.ds(base, BPW)], uidx_v, sem_u0)
    cii = pltpu.async_copy(items_hbm.at[pl.ds(base, BPW)], iidx_v, sem_i0)
    cui.wait()
    cii.wait()

    sems_u = (sem_u0, sem_u1, sem_u2)
    sems_i = (sem_i0, sem_i1, sem_i2)

    def issue(c):
        b = c % NBUF
        cu = pltpu.async_copy(
            utab_hbm.at[uidx_v.at[pl.ds(c * C, C)]], urows_v.at[b], sems_u[b])
        ci = pltpu.async_copy(
            itab_hbm.at[iidx_v.at[pl.ds(c * C, C)]], irows_v.at[b], sems_i[b])
        return cu, ci

    lane = lax.iota(jnp.int32, L)
    inv_d = jnp.float32(1.0 / D)

    def compute(c, b):
        u_ref = urows_v.at[b]
        i_ref = irows_v.at[b]
        zero = jnp.zeros((L,), jnp.float32)

        def group_body(g, _):
            rows0 = (g * 2) * L + lane
            rows1 = rows0 + L

            def d_body(t, accs):
                a00, a01, a10, a11 = accs
                for j in range(UNROLL):
                    cols = (lane + (t * UNROLL + j)) & (D - 1)
                    uv0 = plsc.load_gather(u_ref, [rows0, cols])
                    iv0 = plsc.load_gather(i_ref, [rows0, cols])
                    uv1 = plsc.load_gather(u_ref, [rows1, cols])
                    iv1 = plsc.load_gather(i_ref, [rows1, cols])
                    if j % 2 == 0:
                        a00 = a00 + uv0 * iv0
                        a10 = a10 + uv1 * iv1
                    else:
                        a01 = a01 + uv0 * iv0
                        a11 = a11 + uv1 * iv1
                return a00, a01, a10, a11

            a00, a01, a10, a11 = lax.fori_loop(
                0, D // UNROLL, d_body, (zero, zero, zero, zero))
            out_v[pl.ds(c * C + g * 2 * L, L)] = (a00 + a01) * inv_d
            out_v[pl.ds(c * C + g * 2 * L + L, L)] = (a10 + a11) * inv_d
            return 0

        lax.fori_loop(0, C // (2 * L), group_body, 0)

    pending = [issue(0), issue(1)]
    for c in range(NCHUNK):
        if c + 2 < NCHUNK:
            pending.append(issue(c + 2))
        cu, ci = pending.pop(0)
        cu.wait()
        ci.wait()
        compute(c, c % NBUF)

    pltpu.sync_copy(out_v, out_hbm.at[pl.ds(base, BPW)])


@jax.jit
def kernel(users, items, user_table, item_table):
    mesh = plsc.VectorSubcoreMesh(
        core_axis_name="c", subcore_axis_name="s",
        num_cores=NC, num_subcores=NS)
    mf = pl.kernel(
        _mf_body,
        out_type=jax.ShapeDtypeStruct((B,), jnp.float32),
        mesh=mesh,
        compiler_params=pltpu.CompilerParams(
            needs_layout_passes=False,
            skip_device_barrier=True,
            disable_bounds_checks=True,
            disable_semaphore_checks=True),
        scratch_types=[
            pltpu.VMEM((BPW,), jnp.int32),
            pltpu.VMEM((BPW,), jnp.int32),
            pltpu.VMEM((NBUF, C, D), jnp.float32),
            pltpu.VMEM((NBUF, C, D), jnp.float32),
            pltpu.VMEM((BPW,), jnp.float32),
            pltpu.SemaphoreType.DMA,
            pltpu.SemaphoreType.DMA,
            pltpu.SemaphoreType.DMA,
            pltpu.SemaphoreType.DMA,
            pltpu.SemaphoreType.DMA,
            pltpu.SemaphoreType.DMA,
        ],
    )
    return mf(users.astype(jnp.int32), items.astype(jnp.int32),
              user_table, item_table)

# --- scband reference (transcript-rebuilt; emitter-appended) ---
"""Pipeline reference for scband-mf-31885837205875 (READ-ONLY COPY).

The authoritative reference and input builder live on the scoring server;
editing this copy changes nothing except your own understanding.
"""

import jax, jax.numpy as jnp
import numpy as np

NUM_USER = 1000000
NUM_ITEM = 100000
EMBED_DIM = 128
BATCH = 16384

def setup_inputs(seed: int = 0) -> dict:
    key = jax.random.key(seed)
    k1, k2, k3, k4 = jax.random.split(key, 4)
    users = jax.random.randint(k1, (BATCH,), 0, NUM_USER, dtype=jnp.int64 if jax.config.jax_enable_x64 else jnp.int32)
    items = jax.random.randint(k2, (BATCH,), 0, NUM_ITEM, dtype=jnp.int64 if jax.config.jax_enable_x64 else jnp.int32)
    # Keras Embedding default init: uniform(-0.05, 0.05)
    user_table = jax.random.uniform(k3, (NUM_USER, EMBED_DIM), dtype=jnp.float32, minval=-0.05, maxval=0.05)
    item_table = jax.random.uniform(k4, (NUM_ITEM, EMBED_DIM), dtype=jnp.float32, minval=-0.05, maxval=0.05)
    return {"users": users, "items": items, "user_table": user_table, "item_table": item_table}

def reference(users, items, user_table, item_table):
    user_embedding = jnp.take(user_table, users, axis=0)  # [B, D]
    item_embedding = jnp.take(item_table, items, axis=0)  # [B, D]
    sim = user_embedding * item_embedding
    sim = jnp.mean(sim, axis=-1)  # [B]
    return sim

if __name__ == "__main__":
    import jax
    _d = setup_inputs()
    print(jax.jit(kernel)(*tuple(_d.values())))

</pallas_src>

<mosaic_0001>
#map = affine_map<(d0, d1) -> (0)>
#map1 = affine_map<(d0, d1) -> (0, 0)>
module attributes {stable_mosaic.version = 14 : i64} {
  func.func @_mf_body(%arg0: i32, %arg1: i32, %arg2: memref<16384xi32, #tpu.memory_space<hbm>>, %arg3: memref<16384xi32, #tpu.memory_space<hbm>>, %arg4: memref<1000000x128xf32, #tpu.memory_space<hbm>>, %arg5: memref<100000x128xf32, #tpu.memory_space<hbm>>, %arg6: memref<16384xf32, #tpu.memory_space<hbm>>, %arg7: memref<512xi32, #tpu.memory_space<vmem>>, %arg8: memref<512xi32, #tpu.memory_space<vmem>>, %arg9: memref<3x128x128xf32, #tpu.memory_space<vmem>>, %arg10: memref<3x128x128xf32, #tpu.memory_space<vmem>>, %arg11: memref<512xf32, #tpu.memory_space<vmem>>, %arg12: memref<!tpu.dma_semaphore, #tpu.memory_space<semaphore_mem>>, %arg13: memref<!tpu.dma_semaphore, #tpu.memory_space<semaphore_mem>>, %arg14: memref<!tpu.dma_semaphore, #tpu.memory_space<semaphore_mem>>, %arg15: memref<!tpu.dma_semaphore, #tpu.memory_space<semaphore_mem>>, %arg16: memref<!tpu.dma_semaphore, #tpu.memory_space<semaphore_mem>>, %arg17: memref<!tpu.dma_semaphore, #tpu.memory_space<semaphore_mem>>) attributes {dimension_semantics = [#tpu.dimension_semantics<core_parallel>, #tpu.dimension_semantics<subcore_parallel>], iteration_bounds = array<i64: 2, 16>, scalar_prefetch = 0 : i64, scratch_operands = 11 : i64, tpu.core_type = #tpu.core_type<sc_vector_subcore>, window_params = [{transform_indices = #map}, {transform_indices = #map}, {transform_indices = #map1}, {transform_indices = #map1}, {transform_indices = #map}]} {
    %mul3A = arith.constant 2 : i32
    %mul3A_0 = arith.muli %arg1, %mul3A : i32
    %add3A = arith.addi %mul3A_0, %arg0 : i32
    %mul3A_1 = arith.constant 512 : i32
    %mul3A_2 = arith.muli %add3A, %mul3A_1 : i32
    %dma_start3A = tpu.memref_slice %arg2[%mul3A_2] : memref<16384xi32, #tpu.memory_space<hbm>> -> memref<512xi32, #tpu.memory_space<hbm>>
    %dma_start3A_3 = tpu.memref_slice %arg2[%mul3A_2] : memref<16384xi32, #tpu.memory_space<hbm>> -> memref<512xi32, #tpu.memory_space<hbm>>
    tpu.enqueue_dma source(%dma_start3A_3 : memref<512xi32, #tpu.memory_space<hbm>>) target(%arg7 : memref<512xi32, #tpu.memory_space<vmem>>) target_semaphore(%arg12 : memref<!tpu.dma_semaphore, #tpu.memory_space<semaphore_mem>>)
    %dma_start3A_4 = tpu.memref_slice %arg3[%mul3A_2] : memref<16384xi32, #tpu.memory_space<hbm>> -> memref<512xi32, #tpu.memory_space<hbm>>
    %dma_start3A_5 = tpu.memref_slice %arg3[%mul3A_2] : memref<16384xi32, #tpu.memory_space<hbm>> -> memref<512xi32, #tpu.memory_space<hbm>>
    tpu.enqueue_dma source(%dma_start3A_5 : memref<512xi32, #tpu.memory_space<hbm>>) target(%arg8 : memref<512xi32, #tpu.memory_space<vmem>>) target_semaphore(%arg15 : memref<!tpu.dma_semaphore, #tpu.memory_space<semaphore_mem>>)
    %dma_wait3A = tpu.memref_slice %arg2[%mul3A_2] : memref<16384xi32, #tpu.memory_space<hbm>> -> memref<512xi32, #tpu.memory_space<hbm>>
    %dma_wait3A_6 = tpu.memref_slice %arg2[%mul3A_2] : memref<16384xi32, #tpu.memory_space<hbm>> -> memref<512xi32, #tpu.memory_space<hbm>>
    tpu.wait_dma2 semaphore(%arg12 : memref<!tpu.dma_semaphore, #tpu.memory_space<semaphore_mem>>) src(%dma_wait3A_6 : memref<512xi32, #tpu.memory_space<hbm>>) dst(%arg7 : memref<512xi32, #tpu.memory_space<vmem>>)
    %dma_wait3A_7 = tpu.memref_slice %arg3[%mul3A_2] : memref<16384xi32, #tpu.memory_space<hbm>> -> memref<512xi32, #tpu.memory_space<hbm>>
    %dma_wait3A_8 = tpu.memref_slice %arg3[%mul3A_2] : memref<16384xi32, #tpu.memory_space<hbm>> -> memref<512xi32, #tpu.memory_space<hbm>>
    tpu.wait_dma2 semaphore(%arg15 : memref<!tpu.dma_semaphore, #tpu.memory_space<semaphore_mem>>) src(%dma_wait3A_8 : memref<512xi32, #tpu.memory_space<hbm>>) dst(%arg8 : memref<512xi32, #tpu.memory_space<vmem>>)
    %iota3A = tpu.iota {dimensions = array<i32: 0>} : vector<16xi32>
    %dma_start3A_9 = arith.constant 0 : i32
    %dma_start3A_10 = arith.constant 0 : i32
    %dma_start3A_11 = arith.constant 0 : i32
    %dma_start3A_12 = tpu.memref_slice %arg9[%dma_start3A_9, %dma_start3A_10, %dma_start3A_11] : memref<3x128x128xf32, #tpu.memory_space<vmem>> -> memref<1x128x128xf32, #tpu.memory_space<vmem>>
    %dma_start3A_13 = tpu.memref_squeeze %dma_start3A_12 : memref<1x128x128xf32, #tpu.memory_space<vmem>> -> memref<128x128xf32, #tpu.memory_space<vmem>>
    %dma_start3A_14 = arith.constant 0 : i32
    %dma_start3A_15 = tpu.memref_slice %arg7[%dma_start3A_14] : memref<512xi32, #tpu.memory_space<vmem>> -> memref<128xi32, #tpu.memory_space<vmem>>
    %dma_start3A_16 = arith.constant 0 : i32
    %dma_start3A_17 = arith.constant 0 : i32
    %dma_start3A_18 = tpu.memref_slice %arg4[%dma_start3A_16, %dma_start3A_17] : memref<1000000x128xf32, #tpu.memory_space<hbm>> -> memref<1000000x128xf32, #tpu.memory_space<hbm>>
    tpu.enqueue_indirect_dma source(%dma_start3A_18 : memref<1000000x128xf32, #tpu.memory_space<hbm>>) target(%dma_start3A_13 : memref<128x128xf32, #tpu.memory_space<vmem>>) offsets(%dma_start3A_15 : memref<128xi32, #tpu.memory_space<vmem>>) semaphore(%arg12 : memref<!tpu.dma_semaphore, #tpu.memory_space<semaphore_mem>>)
    %dma_start3A_19 = arith.constant 0 : i32
    %dma_start3A_20 = arith.constant 0 : i32
    %dma_start3A_21 = arith.constant 0 : i32
    %dma_start3A_22 = tpu.memref_slice %arg10[%dma_start3A_19, %dma_start3A_20, %dma_start3A_21] : memref<3x128x128xf32, #tpu.memory_space<vmem>> -> memref<1x128x128xf32, #tpu.memory_space<vmem>>
    %dma_start3A_23 = tpu.memref_squeeze %dma_start3A_22 : memref<1x128x128xf32, #tpu.memory_space<vmem>> -> memref<128x128xf32, #tpu.memory_space<vmem>>
    %dma_start3A_24 = arith.constant 0 : i32
    %dma_start3A_25 = tpu.memref_slice %arg8[%dma_start3A_24] : memref<512xi32, #tpu.memory_space<vmem>> -> memref<128xi32, #tpu.memory_space<vmem>>
    %dma_start3A_26 = arith.constant 0 : i32
    %dma_start3A_27 = arith.constant 0 : i32
    %dma_start3A_28 = tpu.memref_slice %arg5[%dma_start3A_26, %dma_start3A_27] : memref<100000x128xf32, #tpu.memory_space<hbm>> -> memref<100000x128xf32, #tpu.memory_space<hbm>>
    tpu.enqueue_indirect_dma source(%dma_start3A_28 : memref<100000x128xf32, #tpu.memory_space<hbm>>) target(%dma_start3A_23 : memref<128x128xf32, #tpu.memory_space<vmem>>) offsets(%dma_start3A_25 : memref<128xi32, #tpu.memory_space<vmem>>) semaphore(%arg15 : memref<!tpu.dma_semaphore, #tpu.memory_space<semaphore_mem>>)
    %dma_start3A_29 = arith.constant 1 : i32
    %dma_start3A_30 = arith.constant 0 : i32
    %dma_start3A_31 = arith.constant 0 : i32
    %dma_start3A_32 = tpu.memref_slice %arg9[%dma_start3A_29, %dma_start3A_30, %dma_start3A_31] : memref<3x128x128xf32, #tpu.memory_space<vmem>> -> memref<1x128x128xf32, #tpu.memory_space<vmem>>
    %dma_start3A_33 = tpu.memref_squeeze %dma_start3A_32 : memref<1x128x128xf32, #tpu.memory_space<vmem>> -> memref<128x128xf32, #tpu.memory_space<vmem>>
    %dma_start3A_34 = arith.constant 128 : i32
    %dma_start3A_35 = tpu.memref_slice %arg7[%dma_start3A_34] : memref<512xi32, #tpu.memory_space<vmem>> -> memref<128xi32, #tpu.memory_space<vmem>>
    %dma_start3A_36 = arith.constant 0 : i32
    %dma_start3A_37 = arith.constant 0 : i32
    %dma_start3A_38 = tpu.memref_slice %arg4[%dma_start3A_36, %dma_start3A_37] : memref<1000000x128xf32, #tpu.memory_space<hbm>> -> memref<1000000x128xf32, #tpu.memory_space<hbm>>
    tpu.enqueue_indirect_dma source(%dma_start3A_38 : memref<1000000x128xf32, #tpu.memory_space<hbm>>) target(%dma_start3A_33 : memref<128x128xf32, #tpu.memory_space<vmem>>) offsets(%dma_start3A_35 : memref<128xi32, #tpu.memory_space<vmem>>) semaphore(%arg13 : memref<!tpu.dma_semaphore, #tpu.memory_space<semaphore_mem>>)
    %dma_start3A_39 = arith.constant 1 : i32
    %dma_start3A_40 = arith.constant 0 : i32
    %dma_start3A_41 = arith.constant 0 : i32
    %dma_start3A_42 = tpu.memref_slice %arg10[%dma_start3A_39, %dma_start3A_40, %dma_start3A_41] : memref<3x128x128xf32, #tpu.memory_space<vmem>> -> memref<1x128x128xf32, #tpu.memory_space<vmem>>
    %dma_start3A_43 = tpu.memref_squeeze %dma_start3A_42 : memref<1x128x128xf32, #tpu.memory_space<vmem>> -> memref<128x128xf32, #tpu.memory_space<vmem>>
    %dma_start3A_44 = arith.constant 128 : i32
    %dma_start3A_45 = tpu.memref_slice %arg8[%dma_start3A_44] : memref<512xi32, #tpu.memory_space<vmem>> -> memref<128xi32, #tpu.memory_space<vmem>>
    %dma_start3A_46 = arith.constant 0 : i32
    %dma_start3A_47 = arith.constant 0 : i32
    %dma_start3A_48 = tpu.memref_slice %arg5[%dma_start3A_46, %dma_start3A_47] : memref<100000x128xf32, #tpu.memory_space<hbm>> -> memref<100000x128xf32, #tpu.memory_space<hbm>>
    tpu.enqueue_indirect_dma source(%dma_start3A_48 : memref<100000x128xf32, #tpu.memory_space<hbm>>) target(%dma_start3A_43 : memref<128x128xf32, #tpu.memory_space<vmem>>) offsets(%dma_start3A_45 : memref<128xi32, #tpu.memory_space<vmem>>) semaphore(%arg16 : memref<!tpu.dma_semaphore, #tpu.memory_space<semaphore_mem>>)
    %dma_start3A_49 = arith.constant 2 : i32
    %dma_start3A_50 = arith.constant 0 : i32
    %dma_start3A_51 = arith.constant 0 : i32
    %dma_start3A_52 = tpu.memref_slice %arg9[%dma_start3A_49, %dma_start3A_50, %dma_start3A_51] : memref<3x128x128xf32, #tpu.memory_space<vmem>> -> memref<1x128x128xf32, #tpu.memory_space<vmem>>
    %dma_start3A_53 = tpu.memref_squeeze %dma_start3A_52 : memref<1x128x128xf32, #tpu.memory_space<vmem>> -> memref<128x128xf32, #tpu.memory_space<vmem>>
    %dma_start3A_54 = arith.constant 256 : i32
    %dma_start3A_55 = tpu.memref_slice %arg7[%dma_start3A_54] : memref<512xi32, #tpu.memory_space<vmem>> -> memref<128xi32, #tpu.memory_space<vmem>>
    %dma_start3A_56 = arith.constant 0 : i32
    %dma_start3A_57 = arith.constant 0 : i32
    %dma_start3A_58 = tpu.memref_slice %arg4[%dma_start3A_56, %dma_start3A_57] : memref<1000000x128xf32, #tpu.memory_space<hbm>> -> memref<1000000x128xf32, #tpu.memory_space<hbm>>
    tpu.enqueue_indirect_dma source(%dma_start3A_58 : memref<1000000x128xf32, #tpu.memory_space<hbm>>) target(%dma_start3A_53 : memref<128x128xf32, #tpu.memory_space<vmem>>) offsets(%dma_start3A_55 : memref<128xi32, #tpu.memory_space<vmem>>) semaphore(%arg14 : memref<!tpu.dma_semaphore, #tpu.memory_space<semaphore_mem>>)
    %dma_start3A_59 = arith.constant 2 : i32
    %dma_start3A_60 = arith.constant 0 : i32
    %dma_start3A_61 = arith.constant 0 : i32
    %dma_start3A_62 = tpu.memref_slice %arg10[%dma_start3A_59, %dma_start3A_60, %dma_start3A_61] : memref<3x128x128xf32, #tpu.memory_space<vmem>> -> memref<1x128x128xf32, #tpu.memory_space<vmem>>
    %dma_start3A_63 = tpu.memref_squeeze %dma_start3A_62 : memref<1x128x128xf32, #tpu.memory_space<vmem>> -> memref<128x128xf32, #tpu.memory_space<vmem>>
    %dma_start3A_64 = arith.constant 256 : i32
    %dma_start3A_65 = tpu.memref_slice %arg8[%dma_start3A_64] : memref<512xi32, #tpu.memory_space<vmem>> -> memref<128xi32, #tpu.memory_space<vmem>>
    %dma_start3A_66 = arith.constant 0 : i32
    %dma_start3A_67 = arith.constant 0 : i32
    %dma_start3A_68 = tpu.memref_slice %arg5[%dma_start3A_66, %dma_start3A_67] : memref<100000x128xf32, #tpu.memory_space<hbm>> -> memref<100000x128xf32, #tpu.memory_space<hbm>>
    tpu.enqueue_indirect_dma source(%dma_start3A_68 : memref<100000x128xf32, #tpu.memory_space<hbm>>) target(%dma_start3A_63 : memref<128x128xf32, #tpu.memory_space<vmem>>) offsets(%dma_start3A_65 : memref<128xi32, #tpu.memory_space<vmem>>) semaphore(%arg17 : memref<!tpu.dma_semaphore, #tpu.memory_space<semaphore_mem>>)
    %dma_wait3A_69 = arith.constant 0 : i32
    %dma_wait3A_70 = arith.constant 0 : i32
    %dma_wait3A_71 = arith.constant 0 : i32
    %dma_wait3A_72 = tpu.memref_slice %arg9[%dma_wait3A_69, %dma_wait3A_70, %dma_wait3A_71] : memref<3x128x128xf32, #tpu.memory_space<vmem>> -> memref<1x128x128xf32, #tpu.memory_space<vmem>>
    %dma_wait3A_73 = tpu.memref_squeeze %dma_wait3A_72 : memref<1x128x128xf32, #tpu.memory_space<vmem>> -> memref<128x128xf32, #tpu.memory_space<vmem>>
    %dma_wait3A_74 = arith.constant 0 : i32
    %dma_wait3A_75 = tpu.memref_slice %arg7[%dma_wait3A_74] : memref<512xi32, #tpu.memory_space<vmem>> -> memref<128xi32, #tpu.memory_space<vmem>>
    %dma_wait3A_76 = arith.constant 0 : i32
    %dma_wait3A_77 = arith.constant 0 : i32
    %dma_wait3A_78 = tpu.memref_slice %arg4[%dma_wait3A_76, %dma_wait3A_77] : memref<1000000x128xf32, #tpu.memory_space<hbm>> -> memref<1000000x128xf32, #tpu.memory_space<hbm>>
    tpu.wait_indirect_dma semaphore(%arg12 : memref<!tpu.dma_semaphore, #tpu.memory_space<semaphore_mem>>) src(%dma_wait3A_78 : memref<1000000x128xf32, #tpu.memory_space<hbm>>) dst(%dma_wait3A_73 : memref<128x128xf32, #tpu.memory_space<vmem>>)
    %dma_wait3A_79 = arith.constant 0 : i32
    %dma_wait3A_80 = arith.constant 0 : i32
    %dma_wait3A_81 = arith.constant 0 : i32
    %dma_wait3A_82 = tpu.memref_slice %arg10[%dma_wait3A_79, %dma_wait3A_80, %dma_wait3A_81] : memref<3x128x128xf32, #tpu.memory_space<vmem>> -> memref<1x128x128xf32, #tpu.memory_space<vmem>>
    %dma_wait3A_83 = tpu.memref_squeeze %dma_wait3A_82 : memref<1x128x128xf32, #tpu.memory_space<vmem>> -> memref<128x128xf32, #tpu.memory_space<vmem>>
    %dma_wait3A_84 = arith.constant 0 : i32
    %dma_wait3A_85 = tpu.memref_slice %arg8[%dma_wait3A_84] : memref<512xi32, #tpu.memory_space<vmem>> -> memref<128xi32, #tpu.memory_space<vmem>>
    %dma_wait3A_86 = arith.constant 0 : i32
    %dma_wait3A_87 = arith.constant 0 : i32
    %dma_wait3A_88 = tpu.memref_slice %arg5[%dma_wait3A_86, %dma_wait3A_87] : memref<100000x128xf32, #tpu.memory_space<hbm>> -> memref<100000x128xf32, #tpu.memory_space<hbm>>
    tpu.wait_indirect_dma semaphore(%arg15 : memref<!tpu.dma_semaphore, #tpu.memory_space<semaphore_mem>>) src(%dma_wait3A_88 : memref<100000x128xf32, #tpu.memory_space<hbm>>) dst(%dma_wait3A_83 : memref<128x128xf32, #tpu.memory_space<vmem>>)
    %broadcast_in_dim3A = arith.constant 0.000000e+00 : f32
    %broadcast_in_dim3A_89 = vector.broadcast %broadcast_in_dim3A : f32 to vector<16xf32>
    %scan3A = arith.constant 0 : i32
    %scan3A_90 = arith.constant 0 : i32
    %scan3A_91 = arith.constant 7.812500e-03 : f32
    %scan3A_92 = arith.constant 0 : i32
    %scan3A_93 = arith.constant 0 : i32
    %scan3A_94 = arith.constant 4 : i32
    %scan3A_95 = arith.addi %scan3A_93, %scan3A_94 : i32
    %scan3A_96 = arith.constant 1 : i32
    %scan3A_97 = scf.for %scan3A_215 = %scan3A_93 to %scan3A_95 step %scan3A_96 iter_args(%scan3A_216 = %scan3A_92) -> (i32)  : i32 {
      %mul3A_217 = arith.constant 2 : i32
      %mul3A_218 = arith.muli %scan3A_215, %mul3A_217 : i32
      %mul3A_219 = arith.constant 16 : i32
      %mul3A_220 = arith.muli %mul3A_218, %mul3A_219 : i32
      %add3A_221 = vector.broadcast %mul3A_220 : i32 to vector<16xi32>
      %add3A_222 = arith.addi %add3A_221, %iota3A : vector<16xi32>
      %add3A_223 = arith.constant 16 : i32
      %add3A_224 = vector.broadcast %add3A_223 : i32 to vector<16xi32>
      %add3A_225 = arith.addi %add3A_222, %add3A_224 : vector<16xi32>
      %scan3A_226 = arith.constant 0 : i32
      %scan3A_227 = arith.constant 32 : i32
      %scan3A_228 = arith.addi %scan3A_226, %scan3A_227 : i32
      %scan3A_229 = arith.constant 1 : i32
      %scan3A_230:4 = scf.for %scan3A_256 = %scan3A_226 to %scan3A_228 step %scan3A_229 iter_args(%scan3A_257 = %broadcast_in_dim3A_89, %scan3A_258 = %broadcast_in_dim3A_89, %scan3A_259 = %broadcast_in_dim3A_89, %scan3A_260 = %broadcast_in_dim3A_89) -> (vector<16xf32>, vector<16xf32>, vector<16xf32>, vector<16xf32>)  : i32 {
        %mul3A_261 = arith.constant 4 : i32
        %mul3A_262 = arith.muli %scan3A_256, %mul3A_261 : i32
        %add3A_263 = arith.constant 0 : i32
        %add3A_264 = arith.addi %mul3A_262, %add3A_263 : i32
        %add3A_265 = vector.broadcast %add3A_264 : i32 to vector<16xi32>
        %add3A_266 = arith.addi %iota3A, %add3A_265 : vector<16xi32>
        %and3A = arith.constant 127 : i32
        %and3A_267 = vector.broadcast %and3A : i32 to vector<16xi32>
        %and3A_268 = arith.andi %add3A_266, %and3A_267 : vector<16xi32>
        %gather3A = arith.constant 0 : i32
        %gather3A_269 = arith.constant 0 : i32
        %gather3A_270 = tpu.memref_slice %arg9[%scan3A, %gather3A, %gather3A_269] : memref<3x128x128xf32, #tpu.memory_space<vmem>> -> memref<1x128x128xf32, #tpu.memory_space<vmem>>
        %gather3A_271 = tpu.memref_squeeze %gather3A_270 : memref<1x128x128xf32, #tpu.memory_space<vmem>> -> memref<128x128xf32, #tpu.memory_space<vmem>>
        %gather3A_272 = tpu.vector_load_idx %gather3A_271[%add3A_222, %and3A_268] : memref<128x128xf32, #tpu.memory_space<vmem>>[vector<16xi32>, vector<16xi32>], vector<16xf32>,
        %gather3A_273 = arith.constant 0 : i32
        %gather3A_274 = arith.constant 0 : i32
        %gather3A_275 = tpu.memref_slice %arg10[%scan3A_90, %gather3A_273, %gather3A_274] : memref<3x128x128xf32, #tpu.memory_space<vmem>> -> memref<1x128x128xf32, #tpu.memory_space<vmem>>
        %gather3A_276 = tpu.memref_squeeze %gather3A_275 : memref<1x128x128xf32, #tpu.memory_space<vmem>> -> memref<128x128xf32, #tpu.memory_space<vmem>>
        %gather3A_277 = tpu.vector_load_idx %gather3A_276[%add3A_222, %and3A_268] : memref<128x128xf32, #tpu.memory_space<vmem>>[vector<16xi32>, vector<16xi32>], vector<16xf32>,
        %gather3A_278 = arith.constant 0 : i32
        %gather3A_279 = arith.constant 0 : i32
        %gather3A_280 = tpu.memref_slice %arg9[%scan3A, %gather3A_278, %gather3A_279] : memref<3x128x128xf32, #tpu.memory_space<vmem>> -> memref<1x128x128xf32, #tpu.memory_space<vmem>>
        %gather3A_281 = tpu.memref_squeeze %gather3A_280 : memref<1x128x128xf32, #tpu.memory_space<vmem>> -> memref<128x128xf32, #tpu.memory_space<vmem>>
        %gather3A_282 = tpu.vector_load_idx %gather3A_281[%add3A_225, %and3A_268] : memref<128x128xf32, #tpu.memory_space<vmem>>[vector<16xi32>, vector<16xi32>], vector<16xf32>,
        %gather3A_283 = arith.constant 0 : i32
        %gather3A_284 = arith.constant 0 : i32
        %gather3A_285 = tpu.memref_slice %arg10[%scan3A_90, %gather3A_283, %gather3A_284] : memref<3x128x128xf32, #tpu.memory_space<vmem>> -> memref<1x128x128xf32, #tpu.memory_space<vmem>>
        %gather3A_286 = tpu.memref_squeeze %gather3A_285 : memref<1x128x128xf32, #tpu.memory_space<vmem>> -> memref<128x128xf32, #tpu.memory_space<vmem>>
        %gather3A_287 = tpu.vector_load_idx %gather3A_286[%add3A_225, %and3A_268] : memref<128x128xf32, #tpu.memory_space<vmem>>[vector<16xi32>, vector<16xi32>], vector<16xf32>,
        %mul3A_288 = arith.mulf %gather3A_272, %gather3A_277 : vector<16xf32>
        %add3A_289 = arith.addf %scan3A_257, %mul3A_288 : vector<16xf32>
        %mul3A_290 = arith.mulf %gather3A_282, %gather3A_287 : vector<16xf32>
        %add3A_291 = arith.addf %scan3A_259, %mul3A_290 : vector<16xf32>
        %mul3A_292 = arith.constant 4 : i32
        %mul3A_293 = arith.muli %scan3A_256, %mul3A_292 : i32
        %add3A_294 = arith.constant 1 : i32
        %add3A_295 = arith.addi %mul3A_293, %add3A_294 : i32
        %add3A_296 = vector.broadcast %add3A_295 : i32 to vector<16xi32>
        %add3A_297 = arith.addi %iota3A, %add3A_296 : vector<16xi32>
        %and3A_298 = arith.constant 127 : i32
        %and3A_299 = vector.broadcast %and3A_298 : i32 to vector<16xi32>
        %and3A_300 = arith.andi %add3A_297, %and3A_299 : vector<16xi32>
        %gather3A_301 = arith.constant 0 : i32
        %gather3A_302 = arith.constant 0 : i32
        %gather3A_303 = tpu.memref_slice %arg9[%scan3A, %gather3A_301, %gather3A_302] : memref<3x128x128xf32, #tpu.memory_space<vmem>> -> memref<1x128x128xf32, #tpu.memory_space<vmem>>
        %gather3A_304 = tpu.memref_squeeze %gather3A_303 : memref<1x128x128xf32, #tpu.memory_space<vmem>> -> memref<128x128xf32, #tpu.memory_space<vmem>>
        %gather3A_305 = tpu.vector_load_idx %gather3A_304[%add3A_222, %and3A_300] : memref<128x128xf32, #tpu.memory_space<vmem>>[vector<16xi32>, vector<16xi32>], vector<16xf32>,
        %gather3A_306 = arith.constant 0 : i32
        %gather3A_307 = arith.constant 0 : i32
        %gather3A_308 = tpu.memref_slice %arg10[%scan3A_90, %gather3A_306, %gather3A_307] : memref<3x128x128xf32, #tpu.memory_space<vmem>> -> memref<1x128x128xf32, #tpu.memory_space<vmem>>
        %gather3A_309 = tpu.memref_squeeze %gather3A_308 : memref<1x128x128xf32, #tpu.memory_space<vmem>> -> memref<128x128xf32, #tpu.memory_space<vmem>>
        %gather3A_310 = tpu.vector_load_idx %gather3A_309[%add3A_222, %and3A_300] : memref<128x128xf32, #tpu.memory_space<vmem>>[vector<16xi32>, vector<16xi32>], vector<16xf32>,
        %gather3A_311 = arith.constant 0 : i32
        %gather3A_312 = arith.constant 0 : i32
        %gather3A_313 = tpu.memref_slice %arg9[%scan3A, %gather3A_311, %gather3A_312] : memref<3x128x128xf32, #tpu.memory_space<vmem>> -> memref<1x128x128xf32, #tpu.memory_space<vmem>>
        %gather3A_314 = tpu.memref_squeeze %gather3A_313 : memref<1x128x128xf32, #tpu.memory_space<vmem>> -> memref<128x128xf32, #tpu.memory_space<vmem>>
        %gather3A_315 = tpu.vector_load_idx %gather3A_314[%add3A_225, %and3A_300] : memref<128x128xf32, #tpu.memory_space<vmem>>[vector<16xi32>, vector<16xi32>], vector<16xf32>,
        %gather3A_316 = arith.constant 0 : i32
        %gather3A_317 = arith.constant 0 : i32
        %gather3A_318 = tpu.memref_slice %arg10[%scan3A_90, %gather3A_316, %gather3A_317] : memref<3x128x128xf32, #tpu.memory_space<vmem>> -> memref<1x128x128xf32, #tpu.memory_space<vmem>>
        %gather3A_319 = tpu.memref_squeeze %gather3A_318 : memref<1x128x128xf32, #tpu.memory_space<vmem>> -> memref<128x128xf32, #tpu.memory_space<vmem>>
        %gather3A_320 = tpu.vector_load_idx %gather3A_319[%add3A_225, %and3A_300] : memref<128x128xf32, #tpu.memory_space<vmem>>[vector<16xi32>, vector<16xi32>], vector<16xf32>,
        %mul3A_321 = arith.mulf %gather3A_305, %gather3A_310 : vector<16xf32>
        %add3A_322 = arith.addf %scan3A_258, %mul3A_321 : vector<16xf32>
        %mul3A_323 = arith.mulf %gather3A_315, %gather3A_320 : vector<16xf32>
        %add3A_324 = arith.addf %scan3A_260, %mul3A_323 : vector<16xf32>
        %mul3A_325 = arith.constant 4 : i32
        %mul3A_326 = arith.muli %scan3A_256, %mul3A_325 : i32
        %add3A_327 = arith.constant 2 : i32
        %add3A_328 = arith.addi %mul3A_326, %add3A_327 : i32
        %add3A_329 = vector.broadcast %add3A_328 : i32 to vector<16xi32>
        %add3A_330 = arith.addi %iota3A, %add3A_329 : vector<16xi32>
        %and3A_331 = arith.constant 127 : i32
        %and3A_332 = vector.broadcast %and3A_331 : i32 to vector<16xi32>
        %and3A_333 = arith.andi %add3A_330, %and3A_332 : vector<16xi32>
        %gather3A_334 = arith.constant 0 : i32
        %gather3A_335 = arith.constant 0 : i32
        %gather3A_336 = tpu.memref_slice %arg9[%scan3A, %gather3A_334, %gather3A_335] : memref<3x128x128xf32, #tpu.memory_space<vmem>> -> memref<1x128x128xf32, #tpu.memory_space<vmem>>
        %gather3A_337 = tpu.memref_squeeze %gather3A_336 : memref<1x128x128xf32, #tpu.memory_space<vmem>> -> memref<128x128xf32, #tpu.memory_space<vmem>>
        %gather3A_338 = tpu.vector_load_idx %gather3A_337[%add3A_222, %and3A_333] : memref<128x128xf32, #tpu.memory_space<vmem>>[vector<16xi32>, vector<16xi32>], vector<16xf32>,
        %gather3A_339 = arith.constant 0 : i32
        %gather3A_340 = arith.constant 0 : i32
        %gather3A_341 = tpu.memref_slice %arg10[%scan3A_90, %gather3A_339, %gather3A_340] : memref<3x128x128xf32, #tpu.memory_space<vmem>> -> memref<1x128x128xf32, #tpu.memory_space<vmem>>
        %gather3A_342 = tpu.memref_squeeze %gather3A_341 : memref<1x128x128xf32, #tpu.memory_space<vmem>> -> memref<128x128xf32, #tpu.memory_space<vmem>>
        %gather3A_343 = tpu.vector_load_idx %gather3A_342[%add3A_222, %and3A_333] : memref<128x128xf32, #tpu.memory_space<vmem>>[vector<16xi32>, vector<16xi32>], vector<16xf32>,
        %gather3A_344 = arith.constant 0 : i32
        %gather3A_345 = arith.constant 0 : i32
        %gather3A_346 = tpu.memref_slice %arg9[%scan3A, %gather3A_344, %gather3A_345] : memref<3x128x128xf32, #tpu.memory_space<vmem>> -> memref<1x128x128xf32, #tpu.memory_space<vmem>>
        %gather3A_347 = tpu.memref_squeeze %gather3A_346 : memref<1x128x128xf32, #tpu.memory_space<vmem>> -> memref<128x128xf32, #tpu.memory_space<vmem>>
        %gather3A_348 = tpu.vector_load_idx %gather3A_347[%add3A_225, %and3A_333] : memref<128x128xf32, #tpu.memory_space<vmem>>[vector<16xi32>, vector<16xi32>], vector<16xf32>,
        %gather3A_349 = arith.constant 0 : i32
        %gather3A_350 = arith.constant 0 : i32
        %gather3A_351 = tpu.memref_slice %arg10[%scan3A_90, %gather3A_349, %gather3A_350] : memref<3x128x128xf32, #tpu.memory_space<vmem>> -> memref<1x128x128xf32, #tpu.memory_space<vmem>>
        %gather3A_352 = tpu.memref_squeeze %gather3A_351 : memref<1x128x128xf32, #tpu.memory_space<vmem>> -> memref<128x128xf32, #tpu.memory_space<vmem>>
        %gather3A_353 = tpu.vector_load_idx %gather3A_352[%add3A_225, %and3A_333] : memref<128x128xf32, #tpu.memory_space<vmem>>[vector<16xi32>, vector<16xi32>], vector<16xf32>,
        %mul3A_354 = arith.mulf %gather3A_338, %gather3A_343 : vector<16xf32>
        %add3A_355 = arith.addf %add3A_289, %mul3A_354 : vector<16xf32>
        %mul3A_356 = arith.mulf %gather3A_348, %gather3A_353 : vector<16xf32>
        %add3A_357 = arith.addf %add3A_291, %mul3A_356 : vector<16xf32>
        %mul3A_358 = arith.constant 4 : i32
        %mul3A_359 = arith.muli %scan3A_256, %mul3A_358 : i32
        %add3A_360 = arith.constant 3 : i32
        %add3A_361 = arith.addi %mul3A_359, %add3A_360 : i32
        %add3A_362 = vector.broadcast %add3A_361 : i32 to vector<16xi32>
        %add3A_363 = arith.addi %iota3A, %add3A_362 : vector<16xi32>
        %and3A_364 = arith.constant 127 : i32
        %and3A_365 = vector.broadcast %and3A_364 : i32 to vector<16xi32>
        %and3A_366 = arith.andi %add3A_363, %and3A_365 : vector<16xi32>
        %gather3A_367 = arith.constant 0 : i32
        %gather3A_368 = arith.constant 0 : i32
        %gather3A_369 = tpu.memref_slice %arg9[%scan3A, %gather3A_367, %gather3A_368] : memref<3x128x128xf32, #tpu.memory_space<vmem>> -> memref<1x128x128xf32, #tpu.memory_space<vmem>>
        %gather3A_370 = tpu.memref_squeeze %gather3A_369 : memref<1x128x128xf32, #tpu.memory_space<vmem>> -> memref<128x128xf32, #tpu.memory_space<vmem>>
        %gather3A_371 = tpu.vector_load_idx %gather3A_370[%add3A_222, %and3A_366] : memref<128x128xf32, #tpu.memory_space<vmem>>[vector<16xi32>, vector<16xi32>], vector<16xf32>,
        %gather3A_372 = arith.constant 0 : i32
        %gather3A_373 = arith.constant 0 : i32
        %gather3A_374 = tpu.memref_slice %arg10[%scan3A_90, %gather3A_372, %gather3A_373] : memref<3x128x128xf32, #tpu.memory_space<vmem>> -> memref<1x128x128xf32, #tpu.memory_space<vmem>>
        %gather3A_375 = tpu.memref_squeeze %gather3A_374 : memref<1x128x128xf32, #tpu.memory_space<vmem>> -> memref<128x128xf32, #tpu.memory_space<vmem>>
        %gather3A_376 = tpu.vector_load_idx %gather3A_375[%add3A_222, %and3A_366] : memref<128x128xf32, #tpu.memory_space<vmem>>[vector<16xi32>, vector<16xi32>], vector<16xf32>,
        %gather3A_377 = arith.constant 0 : i32
        %gather3A_378 = arith.constant 0 : i32
        %gather3A_379 = tpu.memref_slice %arg9[%scan3A, %gather3A_377, %gather3A_378] : memref<3x128x128xf32, #tpu.memory_space<vmem>> -> memref<1x128x128xf32, #tpu.memory_space<vmem>>
        %gather3A_380 = tpu.memref_squeeze %gather3A_379 : memref<1x128x128xf32, #tpu.memory_space<vmem>> -> memref<128x128xf32, #tpu.memory_space<vmem>>
        %gather3A_381 = tpu.vector_load_idx %gather3A_380[%add3A_225, %and3A_366] : memref<128x128xf32, #tpu.memory_space<vmem>>[vector<16xi32>, vector<16xi32>], vector<16xf32>,
        %gather3A_382 = arith.constant 0 : i32
        %gather3A_383 = arith.constant 0 : i32
        %gather3A_384 = tpu.memref_slice %arg10[%scan3A_90, %gather3A_382, %gather3A_383] : memref<3x128x128xf32, #tpu.memory_space<vmem>> -> memref<1x128x128xf32, #tpu.memory_space<vmem>>
        %gather3A_385 = tpu.memref_squeeze %gather3A_384 : memref<1x128x128xf32, #tpu.memory_space<vmem>> -> memref<128x128xf32, #tpu.memory_space<vmem>>
        %gather3A_386 = tpu.vector_load_idx %gather3A_385[%add3A_225, %and3A_366] : memref<128x128xf32, #tpu.memory_space<vmem>>[vector<16xi32>, vector<16xi32>], vector<16xf32>,
        %mul3A_387 = arith.mulf %gather3A_371, %gather3A_376 : vector<16xf32>
        %add3A_388 = arith.addf %add3A_322, %mul3A_387 : vector<16xf32>
        %mul3A_389 = arith.mulf %gather3A_381, %gather3A_386 : vector<16xf32>
        %add3A_390 = arith.addf %add3A_324, %mul3A_389 : vector<16xf32>
        scf.yield %add3A_355, %add3A_388, %add3A_357, %add3A_390 : vector<16xf32>, vector<16xf32>, vector<16xf32>, vector<16xf32>
      }
      %scan3A_231 = arith.constant 32 : i32
      %add3A_232 = arith.addf %scan3A_230#0, %scan3A_230#1 : vector<16xf32>
      %mul3A_233 = vector.broadcast %scan3A_91 : f32 to vector<16xf32>
      %mul3A_234 = arith.mulf %add3A_232, %mul3A_233 : vector<16xf32>
      %mul3A_235 = arith.constant 2 : i32
      %mul3A_236 = arith.muli %scan3A_215, %mul3A_235 : i32
      %mul3A_237 = arith.constant 16 : i32
      %mul3A_238 = arith.muli %mul3A_236, %mul3A_237 : i32
      %add3A_239 = arith.constant 0 : i32
      %add3A_240 = arith.addi %add3A_239, %mul3A_238 : i32
      %swap3A = arith.index_cast %add3A_240 : i32 to index
      %swap3A_241 = tpu.vector_load %arg11[%swap3A] {strides = array<i32>} : memref<512xf32, #tpu.memory_space<vmem>>, vector<16xf32>,
      tpu.vector_store %arg11[%swap3A], %mul3A_234 {strides = array<i32>} : memref<512xf32, #tpu.memory_space<vmem>>, vector<16xf32>,
      %add3A_242 = arith.addf %scan3A_230#2, %scan3A_230#3 : vector<16xf32>
      %mul3A_243 = vector.broadcast %scan3A_91 : f32 to vector<16xf32>
      %mul3A_244 = arith.mulf %add3A_242, %mul3A_243 : vector<16xf32>
      %mul3A_245 = arith.constant 2 : i32
      %mul3A_246 = arith.muli %scan3A_215, %mul3A_245 : i32
      %mul3A_247 = arith.constant 16 : i32
      %mul3A_248 = arith.muli %mul3A_246, %mul3A_247 : i32
      %add3A_249 = arith.constant 0 : i32
      %add3A_250 = arith.addi %add3A_249, %mul3A_248 : i32
      %add3A_251 = arith.constant 16 : i32
      %add3A_252 = arith.addi %add3A_250, %add3A_251 : i32
      %swap3A_253 = arith.index_cast %add3A_252 : i32 to index
      %swap3A_254 = tpu.vector_load %arg11[%swap3A_253] {strides = array<i32>} : memref<512xf32, #tpu.memory_space<vmem>>, vector<16xf32>,
      tpu.vector_store %arg11[%swap3A_253], %mul3A_244 {strides = array<i32>} : memref<512xf32, #tpu.memory_space<vmem>>, vector<16xf32>,
      %scan3A_255 = arith.constant 0 : i32
      scf.yield %scan3A_255 : i32
    }
    %scan3A_98 = arith.constant 4 : i32
    %dma_start3A_99 = arith.constant 0 : i32
    %dma_start3A_100 = arith.constant 0 : i32
    %dma_start3A_101 = arith.constant 0 : i32
    %dma_start3A_102 = tpu.memref_slice %arg9[%dma_start3A_99, %dma_start3A_100, %dma_start3A_101] : memref<3x128x128xf32, #tpu.memory_space<vmem>> -> memref<1x128x128xf32, #tpu.memory_space<vmem>>
    %dma_start3A_103 = tpu.memref_squeeze %dma_start3A_102 : memref<1x128x128xf32, #tpu.memory_space<vmem>> -> memref<128x128xf32, #tpu.memory_space<vmem>>
    %dma_start3A_104 = arith.constant 384 : i32
    %dma_start3A_105 = tpu.memref_slice %arg7[%dma_start3A_104] : memref<512xi32, #tpu.memory_space<vmem>> -> memref<128xi32, #tpu.memory_space<vmem>>
    %dma_start3A_106 = arith.constant 0 : i32
    %dma_start3A_107 = arith.constant 0 : i32
    %dma_start3A_108 = tpu.memref_slice %arg4[%dma_start3A_106, %dma_start3A_107] : memref<1000000x128xf32, #tpu.memory_space<hbm>> -> memref<1000000x128xf32, #tpu.memory_space<hbm>>
    tpu.enqueue_indirect_dma source(%dma_start3A_108 : memref<1000000x128xf32, #tpu.memory_space<hbm>>) target(%dma_start3A_103 : memref<128x128xf32, #tpu.memory_space<vmem>>) offsets(%dma_start3A_105 : memref<128xi32, #tpu.memory_space<vmem>>) semaphore(%arg12 : memref<!tpu.dma_semaphore, #tpu.memory_space<semaphore_mem>>)
    %dma_start3A_109 = arith.constant 0 : i32
    %dma_start3A_110 = arith.constant 0 : i32
    %dma_start3A_111 = arith.constant 0 : i32
    %dma_start3A_112 = tpu.memref_slice %arg10[%dma_start3A_109, %dma_start3A_110, %dma_start3A_111] : memref<3x128x128xf32, #tpu.memory_space<vmem>> -> memref<1x128x128xf32, #tpu.memory_space<vmem>>
    %dma_start3A_113 = tpu.memref_squeeze %dma_start3A_112 : memref<1x128x128xf32, #tpu.memory_space<vmem>> -> memref<128x128xf32, #tpu.memory_space<vmem>>
    %dma_start3A_114 = arith.constant 384 : i32
    %dma_start3A_115 = tpu.memref_slice %arg8[%dma_start3A_114] : memref<512xi32, #tpu.memory_space<vmem>> -> memref<128xi32, #tpu.memory_space<vmem>>
    %dma_start3A_116 = arith.constant 0 : i32
    %dma_start3A_117 = arith.constant 0 : i32
    %dma_start3A_118 = tpu.memref_slice %arg5[%dma_start3A_116, %dma_start3A_117] : memref<100000x128xf32, #tpu.memory_space<hbm>> -> memref<100000x128xf32, #tpu.memory_space<hbm>>
    tpu.enqueue_indirect_dma source(%dma_start3A_118 : memref<100000x128xf32, #tpu.memory_space<hbm>>) target(%dma_start3A_113 : memref<128x128xf32, #tpu.memory_space<vmem>>) offsets(%dma_start3A_115 : memref<128xi32, #tpu.memory_space<vmem>>) semaphore(%arg15 : memref<!tpu.dma_semaphore, #tpu.memory_space<semaphore_mem>>)
    %dma_wait3A_119 = arith.constant 1 : i32
    %dma_wait3A_120 = arith.constant 0 : i32
    %dma_wait3A_121 = arith.constant 0 : i32
    %dma_wait3A_122 = tpu.memref_slice %arg9[%dma_wait3A_119, %dma_wait3A_120, %dma_wait3A_121] : memref<3x128x128xf32, #tpu.memory_space<vmem>> -> memref<1x128x128xf32, #tpu.memory_space<vmem>>
    %dma_wait3A_123 = tpu.memref_squeeze %dma_wait3A_122 : memref<1x128x128xf32, #tpu.memory_space<vmem>> -> memref<128x128xf32, #tpu.memory_space<vmem>>
    %dma_wait3A_124 = arith.constant 128 : i32
    %dma_wait3A_125 = tpu.memref_slice %arg7[%dma_wait3A_124] : memref<512xi32, #tpu.memory_space<vmem>> -> memref<128xi32, #tpu.memory_space<vmem>>
    %dma_wait3A_126 = arith.constant 0 : i32
    %dma_wait3A_127 = arith.constant 0 : i32
    %dma_wait3A_128 = tpu.memref_slice %arg4[%dma_wait3A_126, %dma_wait3A_127] : memref<1000000x128xf32, #tpu.memory_space<hbm>> -> memref<1000000x128xf32, #tpu.memory_space<hbm>>
    tpu.wait_indirect_dma semaphore(%arg13 : memref<!tpu.dma_semaphore, #tpu.memory_space<semaphore_mem>>) src(%dma_wait3A_128 : memref<1000000x128xf32, #tpu.memory_space<hbm>>) dst(%dma_wait3A_123 : memref<128x128xf32, #tpu.memory_space<vmem>>)
    %dma_wait3A_129 = arith.constant 1 : i32
    %dma_wait3A_130 = arith.constant 0 : i32
    %dma_wait3A_131 = arith.constant 0 : i32
    %dma_wait3A_132 = tpu.memref_slice %arg10[%dma_wait3A_129, %dma_wait3A_130, %dma_wait3A_131] : memref<3x128x128xf32, #tpu.memory_space<vmem>> -> memref<1x128x128xf32, #tpu.memory_space<vmem>>
    %dma_wait3A_133 = tpu.memref_squeeze %dma_wait3A_132 : memref<1x128x128xf32, #tpu.memory_space<vmem>> -> memref<128x128xf32, #tpu.memory_space<vmem>>
    %dma_wait3A_134 = arith.constant 128 : i32
    %dma_wait3A_135 = tpu.memref_slice %arg8[%dma_wait3A_134] : memref<512xi32, #tpu.memory_space<vmem>> -> memref<128xi32, #tpu.memory_space<vmem>>
    %dma_wait3A_136 = arith.constant 0 : i32
    %dma_wait3A_137 = arith.constant 0 : i32
    %dma_wait3A_138 = tpu.memref_slice %arg5[%dma_wait3A_136, %dma_wait3A_137] : memref<100000x128xf32, #tpu.memory_space<hbm>> -> memref<100000x128xf32, #tpu.memory_space<hbm>>
    tpu.wait_indirect_dma semaphore(%arg16 : memref<!tpu.dma_semaphore, #tpu.memory_space<semaphore_mem>>) src(%dma_wait3A_138 : memref<100000x128xf32, #tpu.memory_space<hbm>>) dst(%dma_wait3A_133 : memref<128x128xf32, #tpu.memory_space<vmem>>)
    %broadcast_in_dim3A_139 = arith.constant 0.000000e+00 : f32
    %broadcast_in_dim3A_140 = vector.broadcast %broadcast_in_dim3A_139 : f32 to vector<16xf32>
    %scan3A_141 = arith.constant 1 : i32
    %scan3A_142 = arith.constant 1 : i32
    %scan3A_143 = arith.constant 7.812500e-03 : f32
    %scan3A_144 = arith.constant 0 : i32
    %scan3A_145 = arith.constant 0 : i32
    %scan3A_146 = arith.constant 4 : i32
    %scan3A_147 = arith.addi %scan3A_145, %scan3A_146 : i32
    %scan3A_148 = arith.constant 1 : i32
    %scan3A_149 = scf.for %scan3A_215 = %scan3A_145 to %scan3A_147 step %scan3A_148 iter_args(%scan3A_216 = %scan3A_144) -> (i32)  : i32 {
      %mul3A_217 = arith.constant 2 : i32
      %mul3A_218 = arith.muli %scan3A_215, %mul3A_217 : i32
      %mul3A_219 = arith.constant 16 : i32
      %mul3A_220 = arith.muli %mul3A_218, %mul3A_219 : i32
      %add3A_221 = vector.broadcast %mul3A_220 : i32 to vector<16xi32>
      %add3A_222 = arith.addi %add3A_221, %iota3A : vector<16xi32>
      %add3A_223 = arith.constant 16 : i32
      %add3A_224 = vector.broadcast %add3A_223 : i32 to vector<16xi32>
      %add3A_225 = arith.addi %add3A_222, %add3A_224 : vector<16xi32>
      %scan3A_226 = arith.constant 0 : i32
      %scan3A_227 = arith.constant 32 : i32
      %scan3A_228 = arith.addi %scan3A_226, %scan3A_227 : i32
      %scan3A_229 = arith.constant 1 : i32
      %scan3A_230:4 = scf.for %scan3A_256 = %scan3A_226 to %scan3A_228 step %scan3A_229 iter_args(%scan3A_257 = %broadcast_in_dim3A_140, %scan3A_258 = %broadcast_in_dim3A_140, %scan3A_259 = %broadcast_in_dim3A_140, %scan3A_260 = %broadcast_in_dim3A_140) -> (vector<16xf32>, vector<16xf32>, vector<16xf32>, vector<16xf32>)  : i32 {
        %mul3A_261 = arith.constant 4 : i32
        %mul3A_262 = arith.muli %scan3A_256, %mul3A_261 : i32
        %add3A_263 = arith.constant 0 : i32
        %add3A_264 = arith.addi %mul3A_262, %add3A_263 : i32
        %add3A_265 = vector.broadcast %add3A_264 : i32 to vector<16xi32>
        %add3A_266 = arith.addi %iota3A, %add3A_265 : vector<16xi32>
        %and3A = arith.constant 127 : i32
        %and3A_267 = vector.broadcast %and3A : i32 to vector<16xi32>
        %and3A_268 = arith.andi %add3A_266, %and3A_267 : vector<16xi32>
        %gather3A = arith.constant 0 : i32
        %gather3A_269 = arith.constant 0 : i32
        %gather3A_270 = tpu.memref_slice %arg9[%scan3A_141, %gather3A, %gather3A_269] : memref<3x128x128xf32, #tpu.memory_space<vmem>> -> memref<1x128x128xf32, #tpu.memory_space<vmem>>
        %gather3A_271 = tpu.memref_squeeze %gather3A_270 : memref<1x128x128xf32, #tpu.memory_space<vmem>> -> memref<128x128xf32, #tpu.memory_space<vmem>>
        %gather3A_272 = tpu.vector_load_idx %gather3A_271[%add3A_222, %and3A_268] : memref<128x128xf32, #tpu.memory_space<vmem>>[vector<16xi32>, vector<16xi32>], vector<16xf32>,
        %gather3A_273 = arith.constant 0 : i32
        %gather3A_274 = arith.constant 0 : i32
        %gather3A_275 = tpu.memref_slice %arg10[%scan3A_142, %gather3A_273, %gather3A_274] : memref<3x128x128xf32, #tpu.memory_space<vmem>> -> memref<1x128x128xf32, #tpu.memory_space<vmem>>
        %gather3A_276 = tpu.memref_squeeze %gather3A_275 : memref<1x128x128xf32, #tpu.memory_space<vmem>> -> memref<128x128xf32, #tpu.memory_space<vmem>>
        %gather3A_277 = tpu.vector_load_idx %gather3A_276[%add3A_222, %and3A_268] : memref<128x128xf32, #tpu.memory_space<vmem>>[vector<16xi32>, vector<16xi32>], vector<16xf32>,
        %gather3A_278 = arith.constant 0 : i32
        %gather3A_279 = arith.constant 0 : i32
        %gather3A_280 = tpu.memref_slice %arg9[%scan3A_141, %gather3A_278, %gather3A_279] : memref<3x128x128xf32, #tpu.memory_space<vmem>> -> memref<1x128x128xf32, #tpu.memory_space<vmem>>
        %gather3A_281 = tpu.memref_squeeze %gather3A_280 : memref<1x128x128xf32, #tpu.memory_space<vmem>> -> memref<128x128xf32, #tpu.memory_space<vmem>>
        %gather3A_282 = tpu.vector_load_idx %gather3A_281[%add3A_225, %and3A_268] : memref<128x128xf32, #tpu.memory_space<vmem>>[vector<16xi32>, vector<16xi32>], vector<16xf32>,
        %gather3A_283 = arith.constant 0 : i32
        %gather3A_284 = arith.constant 0 : i32
        %gather3A_285 = tpu.memref_slice %arg10[%scan3A_142, %gather3A_283, %gather3A_284] : memref<3x128x128xf32, #tpu.memory_space<vmem>> -> memref<1x128x128xf32, #tpu.memory_space<vmem>>
        %gather3A_286 = tpu.memref_squeeze %gather3A_285 : memref<1x128x128xf32, #tpu.memory_space<vmem>> -> memref<128x128xf32, #tpu.memory_space<vmem>>
        %gather3A_287 = tpu.vector_load_idx %gather3A_286[%add3A_225, %and3A_268] : memref<128x128xf32, #tpu.memory_space<vmem>>[vector<16xi32>, vector<16xi32>], vector<16xf32>,
        %mul3A_288 = arith.mulf %gather3A_272, %gather3A_277 : vector<16xf32>
        %add3A_289 = arith.addf %scan3A_257, %mul3A_288 : vector<16xf32>
        %mul3A_290 = arith.mulf %gather3A_282, %gather3A_287 : vector<16xf32>
        %add3A_291 = arith.addf %scan3A_259, %mul3A_290 : vector<16xf32>
        %mul3A_292 = arith.constant 4 : i32
        %mul3A_293 = arith.muli %scan3A_256, %mul3A_292 : i32
        %add3A_294 = arith.constant 1 : i32
        %add3A_295 = arith.addi %mul3A_293, %add3A_294 : i32
        %add3A_296 = vector.broadcast %add3A_295 : i32 to vector<16xi32>
        %add3A_297 = arith.addi %iota3A, %add3A_296 : vector<16xi32>
        %and3A_298 = arith.constant 127 : i32
        %and3A_299 = vector.broadcast %and3A_298 : i32 to vector<16xi32>
        %and3A_300 = arith.andi %add3A_297, %and3A_299 : vector<16xi32>
        %gather3A_301 = arith.constant 0 : i32
        %gather3A_302 = arith.constant 0 : i32
        %gather3A_303 = tpu.memref_slice %arg9[%scan3A_141, %gather3A_301, %gather3A_302] : memref<3x128x128xf32, #tpu.memory_space<vmem>> -> memref<1x128x128xf32, #tpu.memory_space<vmem>>
        %gather3A_304 = tpu.memref_squeeze %gather3A_303 : memref<1x128x128xf32, #tpu.memory_space<vmem>> -> memref<128x128xf32, #tpu.memory_space<vmem>>
        %gather3A_305 = tpu.vector_load_idx %gather3A_304[%add3A_222, %and3A_300] : memref<128x128xf32, #tpu.memory_space<vmem>>[vector<16xi32>, vector<16xi32>], vector<16xf32>,
        %gather3A_306 = arith.constant 0 : i32
        %gather3A_307 = arith.constant 0 : i32
        %gather3A_308 = tpu.memref_slice %arg10[%scan3A_142, %gather3A_306, %gather3A_307] : memref<3x128x128xf32, #tpu.memory_space<vmem>> -> memref<1x128x128xf32, #tpu.memory_space<vmem>>
        %gather3A_309 = tpu.memref_squeeze %gather3A_308 : memref<1x128x128xf32, #tpu.memory_space<vmem>> -> memref<128x128xf32, #tpu.memory_space<vmem>>
        %gather3A_310 = tpu.vector_load_idx %gather3A_309[%add3A_222, %and3A_300] : memref<128x128xf32, #tpu.memory_space<vmem>>[vector<16xi32>, vector<16xi32>], vector<16xf32>,
        %gather3A_311 = arith.constant 0 : i32
        %gather3A_312 = arith.constant 0 : i32
        %gather3A_313 = tpu.memref_slice %arg9[%scan3A_141, %gather3A_311, %gather3A_312] : memref<3x128x128xf32, #tpu.memory_space<vmem>> -> memref<1x128x128xf32, #tpu.memory_space<vmem>>
        %gather3A_314 = tpu.memref_squeeze %gather3A_313 : memref<1x128x128xf32, #tpu.memory_space<vmem>> -> memref<128x128xf32, #tpu.memory_space<vmem>>
        %gather3A_315 = tpu.vector_load_idx %gather3A_314[%add3A_225, %and3A_300] : memref<128x128xf32, #tpu.memory_space<vmem>>[vector<16xi32>, vector<16xi32>], vector<16xf32>,
        %gather3A_316 = arith.constant 0 : i32
        %gather3A_317 = arith.constant 0 : i32
        %gather3A_318 = tpu.memref_slice %arg10[%scan3A_142, %gather3A_316, %gather3A_317] : memref<3x128x128xf32, #tpu.memory_space<vmem>> -> memref<1x128x128xf32, #tpu.memory_space<vmem>>
        %gather3A_319 = tpu.memref_squeeze %gather3A_318 : memref<1x128x128xf32, #tpu.memory_space<vmem>> -> memref<128x128xf32, #tpu.memory_space<vmem>>
        %gather3A_320 = tpu.vector_load_idx %gather3A_319[%add3A_225, %and3A_300] : memref<128x128xf32, #tpu.memory_space<vmem>>[vector<16xi32>, vector<16xi32>], vector<16xf32>,
        %mul3A_321 = arith.mulf %gather3A_305, %gather3A_310 : vector<16xf32>
        %add3A_322 = arith.addf %scan3A_258, %mul3A_321 : vector<16xf32>
        %mul3A_323 = arith.mulf %gather3A_315, %gather3A_320 : vector<16xf32>
        %add3A_324 = arith.addf %scan3A_260, %mul3A_323 : vector<16xf32>
        %mul3A_325 = arith.constant 4 : i32
        %mul3A_326 = arith.muli %scan3A_256, %mul3A_325 : i32
        %add3A_327 = arith.constant 2 : i32
        %add3A_328 = arith.addi %mul3A_326, %add3A_327 : i32
        %add3A_329 = vector.broadcast %add3A_328 : i32 to vector<16xi32>
        %add3A_330 = arith.addi %iota3A, %add3A_329 : vector<16xi32>
        %and3A_331 = arith.constant 127 : i32
        %and3A_332 = vector.broadcast %and3A_331 : i32 to vector<16xi32>
        %and3A_333 = arith.andi %add3A_330, %and3A_332 : vector<16xi32>
        %gather3A_334 = arith.constant 0 : i32
        %gather3A_335 = arith.constant 0 : i32
        %gather3A_336 = tpu.memref_slice %arg9[%scan3A_141, %gather3A_334, %gather3A_335] : memref<3x128x128xf32, #tpu.memory_space<vmem>> -> memref<1x128x128xf32, #tpu.memory_space<vmem>>
        %gather3A_337 = tpu.memref_squeeze %gather3A_336 : memref<1x128x128xf32, #tpu.memory_space<vmem>> -> memref<128x128xf32, #tpu.memory_space<vmem>>
        %gather3A_338 = tpu.vector_load_idx %gather3A_337[%add3A_222, %and3A_333] : memref<128x128xf32, #tpu.memory_space<vmem>>[vector<16xi32>, vector<16xi32>], vector<16xf32>,
        %gather3A_339 = arith.constant 0 : i32
        %gather3A_340 = arith.constant 0 : i32
        %gather3A_341 = tpu.memref_slice %arg10[%scan3A_142, %gather3A_339, %gather3A_340] : memref<3x128x128xf32, #tpu.memory_space<vmem>> -> memref<1x128x128xf32, #tpu.memory_space<vmem>>
        %gather3A_342 = tpu.memref_squeeze %gather3A_341 : memref<1x128x128xf32, #tpu.memory_space<vmem>> -> memref<128x128xf32, #tpu.memory_space<vmem>>
        %gather3A_343 = tpu.vector_load_idx %gather3A_342[%add3A_222, %and3A_333] : memref<128x128xf32, #tpu.memory_space<vmem>>[vector<16xi32>, vector<16xi32>], vector<16xf32>,
        %gather3A_344 = arith.constant 0 : i32
        %gather3A_345 = arith.constant 0 : i32
        %gather3A_346 = tpu.memref_slice %arg9[%scan3A_141, %gather3A_344, %gather3A_345] : memref<3x128x128xf32, #tpu.memory_space<vmem>> -> memref<1x128x128xf32, #tpu.memory_space<vmem>>
        %gather3A_347 = tpu.memref_squeeze %gather3A_346 : memref<1x128x128xf32, #tpu.memory_space<vmem>> -> memref<128x128xf32, #tpu.memory_space<vmem>>
        %gather3A_348 = tpu.vector_load_idx %gather3A_347[%add3A_225, %and3A_333] : memref<128x128xf32, #tpu.memory_space<vmem>>[vector<16xi32>, vector<16xi32>], vector<16xf32>,
        %gather3A_349 = arith.constant 0 : i32
        %gather3A_350 = arith.constant 0 : i32
        %gather3A_351 = tpu.memref_slice %arg10[%scan3A_142, %gather3A_349, %gather3A_350] : memref<3x128x128xf32, #tpu.memory_space<vmem>> -> memref<1x128x128xf32, #tpu.memory_space<vmem>>
        %gather3A_352 = tpu.memref_squeeze %gather3A_351 : memref<1x128x128xf32, #tpu.memory_space<vmem>> -> memref<128x128xf32, #tpu.memory_space<vmem>>
        %gather3A_353 = tpu.vector_load_idx %gather3A_352[%add3A_225, %and3A_333] : memref<128x128xf32, #tpu.memory_space<vmem>>[vector<16xi32>, vector<16xi32>], vector<16xf32>,
        %mul3A_354 = arith.mulf %gather3A_338, %gather3A_343 : vector<16xf32>
        %add3A_355 = arith.addf %add3A_289, %mul3A_354 : vector<16xf32>
        %mul3A_356 = arith.mulf %gather3A_348, %gather3A_353 : vector<16xf32>
        %add3A_357 = arith.addf %add3A_291, %mul3A_356 : vector<16xf32>
        %mul3A_358 = arith.constant 4 : i32
        %mul3A_359 = arith.muli %scan3A_256, %mul3A_358 : i32
        %add3A_360 = arith.constant 3 : i32
        %add3A_361 = arith.addi %mul3A_359, %add3A_360 : i32
        %add3A_362 = vector.broadcast %add3A_361 : i32 to vector<16xi32>
        %add3A_363 = arith.addi %iota3A, %add3A_362 : vector<16xi32>
        %and3A_364 = arith.constant 127 : i32
        %and3A_365 = vector.broadcast %and3A_364 : i32 to vector<16xi32>
        %and3A_366 = arith.andi %add3A_363, %and3A_365 : vector<16xi32>
        %gather3A_367 = arith.constant 0 : i32
        %gather3A_368 = arith.constant 0 : i32
        %gather3A_369 = tpu.memref_slice %arg9[%scan3A_141, %gather3A_367, %gather3A_368] : memref<3x128x128xf32, #tpu.memory_space<vmem>> -> memref<1x128x128xf32, #tpu.memory_space<vmem>>
        %gather3A_370 = tpu.memref_squeeze %gather3A_369 : memref<1x128x128xf32, #tpu.memory_space<vmem>> -> memref<128x128xf32, #tpu.memory_space<vmem>>
        %gather3A_371 = tpu.vector_load_idx %gather3A_370[%add3A_222, %and3A_366] : memref<128x128xf32, #tpu.memory_space<vmem>>[vector<16xi32>, vector<16xi32>], vector<16xf32>,
        %gather3A_372 = arith.constant 0 : i32
        %gather3A_373 = arith.constant 0 : i32
        %gather3A_374 = tpu.memref_slice %arg10[%scan3A_142, %gather3A_372, %gather3A_373] : memref<3x128x128xf32, #tpu.memory_space<vmem>> -> memref<1x128x128xf32, #tpu.memory_space<vmem>>
        %gather3A_375 = tpu.memref_squeeze %gather3A_374 : memref<1x128x128xf32, #tpu.memory_space<vmem>> -> memref<128x128xf32, #tpu.memory_space<vmem>>
        %gather3A_376 = tpu.vector_load_idx %gather3A_375[%add3A_222, %and3A_366] : memref<128x128xf32, #tpu.memory_space<vmem>>[vector<16xi32>, vector<16xi32>], vector<16xf32>,
        %gather3A_377 = arith.constant 0 : i32
        %gather3A_378 = arith.constant 0 : i32
        %gather3A_379 = tpu.memref_slice %arg9[%scan3A_141, %gather3A_377, %gather3A_378] : memref<3x128x128xf32, #tpu.memory_space<vmem>> -> memref<1x128x128xf32, #tpu.memory_space<vmem>>
        %gather3A_380 = tpu.memref_squeeze %gather3A_379 : memref<1x128x128xf32, #tpu.memory_space<vmem>> -> memref<128x128xf32, #tpu.memory_space<vmem>>
        %gather3A_381 = tpu.vector_load_idx %gather3A_380[%add3A_225, %and3A_366] : memref<128x128xf32, #tpu.memory_space<vmem>>[vector<16xi32>, vector<16xi32>], vector<16xf32>,
        %gather3A_382 = arith.constant 0 : i32
        %gather3A_383 = arith.constant 0 : i32
        %gather3A_384 = tpu.memref_slice %arg10[%scan3A_142, %gather3A_382, %gather3A_383] : memref<3x128x128xf32, #tpu.memory_space<vmem>> -> memref<1x128x128xf32, #tpu.memory_space<vmem>>
        %gather3A_385 = tpu.memref_squeeze %gather3A_384 : memref<1x128x128xf32, #tpu.memory_space<vmem>> -> memref<128x128xf32, #tpu.memory_space<vmem>>
        %gather3A_386 = tpu.vector_load_idx %gather3A_385[%add3A_225, %and3A_366] : memref<128x128xf32, #tpu.memory_space<vmem>>[vector<16xi32>, vector<16xi32>], vector<16xf32>,
        %mul3A_387 = arith.mulf %gather3A_371, %gather3A_376 : vector<16xf32>
        %add3A_388 = arith.addf %add3A_322, %mul3A_387 : vector<16xf32>
        %mul3A_389 = arith.mulf %gather3A_381, %gather3A_386 : vector<16xf32>
        %add3A_390 = arith.addf %add3A_324, %mul3A_389 : vector<16xf32>
        scf.yield %add3A_355, %add3A_388, %add3A_357, %add3A_390 : vector<16xf32>, vector<16xf32>, vector<16xf32>, vector<16xf32>
      }
      %scan3A_231 = arith.constant 32 : i32
      %add3A_232 = arith.addf %scan3A_230#0, %scan3A_230#1 : vector<16xf32>
      %mul3A_233 = vector.broadcast %scan3A_143 : f32 to vector<16xf32>
      %mul3A_234 = arith.mulf %add3A_232, %mul3A_233 : vector<16xf32>
      %mul3A_235 = arith.constant 2 : i32
      %mul3A_236 = arith.muli %scan3A_215, %mul3A_235 : i32
      %mul3A_237 = arith.constant 16 : i32
      %mul3A_238 = arith.muli %mul3A_236, %mul3A_237 : i32
      %add3A_239 = arith.constant 128 : i32
      %add3A_240 = arith.addi %add3A_239, %mul3A_238 : i32
      %swap3A = arith.index_cast %add3A_240 : i32 to index
      %swap3A_241 = tpu.vector_load %arg11[%swap3A] {strides = array<i32>} : memref<512xf32, #tpu.memory_space<vmem>>, vector<16xf32>,
      tpu.vector_store %arg11[%swap3A], %mul3A_234 {strides = array<i32>} : memref<512xf32, #tpu.memory_space<vmem>>, vector<16xf32>,
      %add3A_242 = arith.addf %scan3A_230#2, %scan3A_230#3 : vector<16xf32>
      %mul3A_243 = vector.broadcast %scan3A_143 : f32 to vector<16xf32>
      %mul3A_244 = arith.mulf %add3A_242, %mul3A_243 : vector<16xf32>
      %mul3A_245 = arith.constant 2 : i32
      %mul3A_246 = arith.muli %scan3A_215, %mul3A_245 : i32
      %mul3A_247 = arith.constant 16 : i32
      %mul3A_248 = arith.muli %mul3A_246, %mul3A_247 : i32
      %add3A_249 = arith.constant 128 : i32
      %add3A_250 = arith.addi %add3A_249, %mul3A_248 : i32
      %add3A_251 = arith.constant 16 : i32
      %add3A_252 = arith.addi %add3A_250, %add3A_251 : i32
      %swap3A_253 = arith.index_cast %add3A_252 : i32 to index
      %swap3A_254 = tpu.vector_load %arg11[%swap3A_253] {strides = array<i32>} : memref<512xf32, #tpu.memory_space<vmem>>, vector<16xf32>,
      tpu.vector_store %arg11[%swap3A_253], %mul3A_244 {strides = array<i32>} : memref<512xf32, #tpu.memory_space<vmem>>, vector<16xf32>,
      %scan3A_255 = arith.constant 0 : i32
      scf.yield %scan3A_255 : i32
    }
    %scan3A_150 = arith.constant 4 : i32
    %dma_wait3A_151 = arith.constant 2 : i32
    %dma_wait3A_152 = arith.constant 0 : i32
    %dma_wait3A_153 = arith.constant 0 : i32
    %dma_wait3A_154 = tpu.memref_slice %arg9[%dma_wait3A_151, %dma_wait3A_152, %dma_wait3A_153] : memref<3x128x128xf32, #tpu.memory_space<vmem>> -> memref<1x128x128xf32, #tpu.memory_space<vmem>>
    %dma_wait3A_155 = tpu.memref_squeeze %dma_wait3A_154 : memref<1x128x128xf32, #tpu.memory_space<vmem>> -> memref<128x128xf32, #tpu.memory_space<vmem>>
    %dma_wait3A_156 = arith.constant 256 : i32
    %dma_wait3A_157 = tpu.memref_slice %arg7[%dma_wait3A_156] : memref<512xi32, #tpu.memory_space<vmem>> -> memref<128xi32, #tpu.memory_space<vmem>>
    %dma_wait3A_158 = arith.constant 0 : i32
    %dma_wait3A_159 = arith.constant 0 : i32
    %dma_wait3A_160 = tpu.memref_slice %arg4[%dma_wait3A_158, %dma_wait3A_159] : memref<1000000x128xf32, #tpu.memory_space<hbm>> -> memref<1000000x128xf32, #tpu.memory_space<hbm>>
    tpu.wait_indirect_dma semaphore(%arg14 : memref<!tpu.dma_semaphore, #tpu.memory_space<semaphore_mem>>) src(%dma_wait3A_160 : memref<1000000x128xf32, #tpu.memory_space<hbm>>) dst(%dma_wait3A_155 : memref<128x128xf32, #tpu.memory_space<vmem>>)
    %dma_wait3A_161 = arith.constant 2 : i32
    %dma_wait3A_162 = arith.constant 0 : i32
    %dma_wait3A_163 = arith.constant 0 : i32
    %dma_wait3A_164 = tpu.memref_slice %arg10[%dma_wait3A_161, %dma_wait3A_162, %dma_wait3A_163] : memref<3x128x128xf32, #tpu.memory_space<vmem>> -> memref<1x128x128xf32, #tpu.memory_space<vmem>>
    %dma_wait3A_165 = tpu.memref_squeeze %dma_wait3A_164 : memref<1x128x128xf32, #tpu.memory_space<vmem>> -> memref<128x128xf32, #tpu.memory_space<vmem>>
    %dma_wait3A_166 = arith.constant 256 : i32
    %dma_wait3A_167 = tpu.memref_slice %arg8[%dma_wait3A_166] : memref<512xi32, #tpu.memory_space<vmem>> -> memref<128xi32, #tpu.memory_space<vmem>>
    %dma_wait3A_168 = arith.constant 0 : i32
    %dma_wait3A_169 = arith.constant 0 : i32
    %dma_wait3A_170 = tpu.memref_slice %arg5[%dma_wait3A_168, %dma_wait3A_169] : memref<100000x128xf32, #tpu.memory_space<hbm>> -> memref<100000x128xf32, #tpu.memory_space<hbm>>
    tpu.wait_indirect_dma semaphore(%arg17 : memref<!tpu.dma_semaphore, #tpu.memory_space<semaphore_mem>>) src(%dma_wait3A_170 : memref<100000x128xf32, #tpu.memory_space<hbm>>) dst(%dma_wait3A_165 : memref<128x128xf32, #tpu.memory_space<vmem>>)
    %broadcast_in_dim3A_171 = arith.constant 0.000000e+00 : f32
    %broadcast_in_dim3A_172 = vector.broadcast %broadcast_in_dim3A_171 : f32 to vector<16xf32>
    %scan3A_173 = arith.constant 2 : i32
    %scan3A_174 = arith.constant 2 : i32
    %scan3A_175 = arith.constant 7.812500e-03 : f32
    %scan3A_176 = arith.constant 0 : i32
    %scan3A_177 = arith.constant 0 : i32
    %scan3A_178 = arith.constant 4 : i32
    %scan3A_179 = arith.addi %scan3A_177, %scan3A_178 : i32
    %scan3A_180 = arith.constant 1 : i32
    %scan3A_181 = scf.for %scan3A_215 = %scan3A_177 to %scan3A_179 step %scan3A_180 iter_args(%scan3A_216 = %scan3A_176) -> (i32)  : i32 {
      %mul3A_217 = arith.constant 2 : i32
      %mul3A_218 = arith.muli %scan3A_215, %mul3A_217 : i32
      %mul3A_219 = arith.constant 16 : i32
      %mul3A_220 = arith.muli %mul3A_218, %mul3A_219 : i32
      %add3A_221 = vector.broadcast %mul3A_220 : i32 to vector<16xi32>
      %add3A_222 = arith.addi %add3A_221, %iota3A : vector<16xi32>
      %add3A_223 = arith.constant 16 : i32
      %add3A_224 = vector.broadcast %add3A_223 : i32 to vector<16xi32>
      %add3A_225 = arith.addi %add3A_222, %add3A_224 : vector<16xi32>
      %scan3A_226 = arith.constant 0 : i32
      %scan3A_227 = arith.constant 32 : i32
      %scan3A_228 = arith.addi %scan3A_226, %scan3A_227 : i32
      %scan3A_229 = arith.constant 1 : i32
      %scan3A_230:4 = scf.for %scan3A_256 = %scan3A_226 to %scan3A_228 step %scan3A_229 iter_args(%scan3A_257 = %broadcast_in_dim3A_172, %scan3A_258 = %broadcast_in_dim3A_172, %scan3A_259 = %broadcast_in_dim3A_172, %scan3A_260 = %broadcast_in_dim3A_172) -> (vector<16xf32>, vector<16xf32>, vector<16xf32>, vector<16xf32>)  : i32 {
        %mul3A_261 = arith.constant 4 : i32
        %mul3A_262 = arith.muli %scan3A_256, %mul3A_261 : i32
        %add3A_263 = arith.constant 0 : i32
        %add3A_264 = arith.addi %mul3A_262, %add3A_263 : i32
        %add3A_265 = vector.broadcast %add3A_264 : i32 to vector<16xi32>
        %add3A_266 = arith.addi %iota3A, %add3A_265 : vector<16xi32>
        %and3A = arith.constant 127 : i32
        %and3A_267 = vector.broadcast %and3A : i32 to vector<16xi32>
        %and3A_268 = arith.andi %add3A_266, %and3A_267 : vector<16xi32>
        %gather3A = arith.constant 0 : i32
        %gather3A_269 = arith.constant 0 : i32
        %gather3A_270 = tpu.memref_slice %arg9[%scan3A_173, %gather3A, %gather3A_269] : memref<3x128x128xf32, #tpu.memory_space<vmem>> -> memref<1x128x128xf32, #tpu.memory_space<vmem>>
        %gather3A_271 = tpu.memref_squeeze %gather3A_270 : memref<1x128x128xf32, #tpu.memory_space<vmem>> -> memref<128x128xf32, #tpu.memory_space<vmem>>
        %gather3A_272 = tpu.vector_load_idx %gather3A_271[%add3A_222, %and3A_268] : memref<128x128xf32, #tpu.memory_space<vmem>>[vector<16xi32>, vector<16xi32>], vector<16xf32>,
        %gather3A_273 = arith.constant 0 : i32
        %gather3A_274 = arith.constant 0 : i32
        %gather3A_275 = tpu.memref_slice %arg10[%scan3A_174, %gather3A_273, %gather3A_274] : memref<3x128x128xf32, #tpu.memory_space<vmem>> -> memref<1x128x128xf32, #tpu.memory_space<vmem>>
        %gather3A_276 = tpu.memref_squeeze %gather3A_275 : memref<1x128x128xf32, #tpu.memory_space<vmem>> -> memref<128x128xf32, #tpu.memory_space<vmem>>
        %gather3A_277 = tpu.vector_load_idx %gather3A_276[%add3A_222, %and3A_268] : memref<128x128xf32, #tpu.memory_space<vmem>>[vector<16xi32>, vector<16xi32>], vector<16xf32>,
        %gather3A_278 = arith.constant 0 : i32
        %gather3A_279 = arith.constant 0 : i32
        %gather3A_280 = tpu.memref_slice %arg9[%scan3A_173, %gather3A_278, %gather3A_279] : memref<3x128x128xf32, #tpu.memory_space<vmem>> -> memref<1x128x128xf32, #tpu.memory_space<vmem>>
        %gather3A_281 = tpu.memref_squeeze %gather3A_280 : memref<1x128x128xf32, #tpu.memory_space<vmem>> -> memref<128x128xf32, #tpu.memory_space<vmem>>
        %gather3A_282 = tpu.vector_load_idx %gather3A_281[%add3A_225, %and3A_268] : memref<128x128xf32, #tpu.memory_space<vmem>>[vector<16xi32>, vector<16xi32>], vector<16xf32>,
        %gather3A_283 = arith.constant 0 : i32
        %gather3A_284 = arith.constant 0 : i32
        %gather3A_285 = tpu.memref_slice %arg10[%scan3A_174, %gather3A_283, %gather3A_284] : memref<3x128x128xf32, #tpu.memory_space<vmem>> -> memref<1x128x128xf32, #tpu.memory_space<vmem>>
        %gather3A_286 = tpu.memref_squeeze %gather3A_285 : memref<1x128x128xf32, #tpu.memory_space<vmem>> -> memref<128x128xf32, #tpu.memory_space<vmem>>
        %gather3A_287 = tpu.vector_load_idx %gather3A_286[%add3A_225, %and3A_268] : memref<128x128xf32, #tpu.memory_space<vmem>>[vector<16xi32>, vector<16xi32>], vector<16xf32>,
        %mul3A_288 = arith.mulf %gather3A_272, %gather3A_277 : vector<16xf32>
        %add3A_289 = arith.addf %scan3A_257, %mul3A_288 : vector<16xf32>
        %mul3A_290 = arith.mulf %gather3A_282, %gather3A_287 : vector<16xf32>
        %add3A_291 = arith.addf %scan3A_259, %mul3A_290 : vector<16xf32>
        %mul3A_292 = arith.constant 4 : i32
        %mul3A_293 = arith.muli %scan3A_256, %mul3A_292 : i32
        %add3A_294 = arith.constant 1 : i32
        %add3A_295 = arith.addi %mul3A_293, %add3A_294 : i32
        %add3A_296 = vector.broadcast %add3A_295 : i32 to vector<16xi32>
        %add3A_297 = arith.addi %iota3A, %add3A_296 : vector<16xi32>
        %and3A_298 = arith.constant 127 : i32
        %and3A_299 = vector.broadcast %and3A_298 : i32 to vector<16xi32>
        %and3A_300 = arith.andi %add3A_297, %and3A_299 : vector<16xi32>
        %gather3A_301 = arith.constant 0 : i32
        %gather3A_302 = arith.constant 0 : i32
        %gather3A_303 = tpu.memref_slice %arg9[%scan3A_173, %gather3A_301, %gather3A_302] : memref<3x128x128xf32, #tpu.memory_space<vmem>> -> memref<1x128x128xf32, #tpu.memory_space<vmem>>
        %gather3A_304 = tpu.memref_squeeze %gather3A_303 : memref<1x128x128xf32, #tpu.memory_space<vmem>> -> memref<128x128xf32, #tpu.memory_space<vmem>>
        %gather3A_305 = tpu.vector_load_idx %gather3A_304[%add3A_222, %and3A_300] : memref<128x128xf32, #tpu.memory_space<vmem>>[vector<16xi32>, vector<16xi32>], vector<16xf32>,
        %gather3A_306 = arith.constant 0 : i32
        %gather3A_307 = arith.constant 0 : i32
        %gather3A_308 = tpu.memref_slice %arg10[%scan3A_174, %gather3A_306, %gather3A_307] : memref<3x128x128xf32, #tpu.memory_space<vmem>> -> memref<1x128x128xf32, #tpu.memory_space<vmem>>
        %gather3A_309 = tpu.memref_squeeze %gather3A_308 : memref<1x128x128xf32, #tpu.memory_space<vmem>> -> memref<128x128xf32, #tpu.memory_space<vmem>>
        %gather3A_310 = tpu.vector_load_idx %gather3A_309[%add3A_222, %and3A_300] : memref<128x128xf32, #tpu.memory_space<vmem>>[vector<16xi32>, vector<16xi32>], vector<16xf32>,
        %gather3A_311 = arith.constant 0 : i32
        %gather3A_312 = arith.constant 0 : i32
        %gather3A_313 = tpu.memref_slice %arg9[%scan3A_173, %gather3A_311, %gather3A_312] : memref<3x128x128xf32, #tpu.memory_space<vmem>> -> memref<1x128x128xf32, #tpu.memory_space<vmem>>
        %gather3A_314 = tpu.memref_squeeze %gather3A_313 : memref<1x128x128xf32, #tpu.memory_space<vmem>> -> memref<128x128xf32, #tpu.memory_space<vmem>>
        %gather3A_315 = tpu.vector_load_idx %gather3A_314[%add3A_225, %and3A_300] : memref<128x128xf32, #tpu.memory_space<vmem>>[vector<16xi32>, vector<16xi32>], vector<16xf32>,
        %gather3A_316 = arith.constant 0 : i32
        %gather3A_317 = arith.constant 0 : i32
        %gather3A_318 = tpu.memref_slice %arg10[%scan3A_174, %gather3A_316, %gather3A_317] : memref<3x128x128xf32, #tpu.memory_space<vmem>> -> memref<1x128x128xf32, #tpu.memory_space<vmem>>
        %gather3A_319 = tpu.memref_squeeze %gather3A_318 : memref<1x128x128xf32, #tpu.memory_space<vmem>> -> memref<128x128xf32, #tpu.memory_space<vmem>>
        %gather3A_320 = tpu.vector_load_idx %gather3A_319[%add3A_225, %and3A_300] : memref<128x128xf32, #tpu.memory_space<vmem>>[vector<16xi32>, vector<16xi32>], vector<16xf32>,
        %mul3A_321 = arith.mulf %gather3A_305, %gather3A_310 : vector<16xf32>
        %add3A_322 = arith.addf %scan3A_258, %mul3A_321 : vector<16xf32>
        %mul3A_323 = arith.mulf %gather3A_315, %gather3A_320 : vector<16xf32>
        %add3A_324 = arith.addf %scan3A_260, %mul3A_323 : vector<16xf32>
        %mul3A_325 = arith.constant 4 : i32
        %mul3A_326 = arith.muli %scan3A_256, %mul3A_325 : i32
        %add3A_327 = arith.constant 2 : i32
        %add3A_328 = arith.addi %mul3A_326, %add3A_327 : i32
        %add3A_329 = vector.broadcast %add3A_328 : i32 to vector<16xi32>
        %add3A_330 = arith.addi %iota3A, %add3A_329 : vector<16xi32>
        %and3A_331 = arith.constant 127 : i32
        %and3A_332 = vector.broadcast %and3A_331 : i32 to vector<16xi32>
        %and3A_333 = arith.andi %add3A_330, %and3A_332 : vector<16xi32>
        %gather3A_334 = arith.constant 0 : i32
        %gather3A_335 = arith.constant 0 : i32
        %gather3A_336 = tpu.memref_slice %arg9[%scan3A_173, %gather3A_334, %gather3A_335] : memref<3x128x128xf32, #tpu.memory_space<vmem>> -> memref<1x128x128xf32, #tpu.memory_space<vmem>>
        %gather3A_337 = tpu.memref_squeeze %gather3A_336 : memref<1x128x128xf32, #tpu.memory_space<vmem>> -> memref<128x128xf32, #tpu.memory_space<vmem>>
        %gather3A_338 = tpu.vector_load_idx %gather3A_337[%add3A_222, %and3A_333] : memref<128x128xf32, #tpu.memory_space<vmem>>[vector<16xi32>, vector<16xi32>], vector<16xf32>,
        %gather3A_339 = arith.constant 0 : i32
        %gather3A_340 = arith.constant 0 : i32
        %gather3A_341 = tpu.memref_slice %arg10[%scan3A_174, %gather3A_339, %gather3A_340] : memref<3x128x128xf32, #tpu.memory_space<vmem>> -> memref<1x128x128xf32, #tpu.memory_space<vmem>>
        %gather3A_342 = tpu.memref_squeeze %gather3A_341 : memref<1x128x128xf32, #tpu.memory_space<vmem>> -> memref<128x128xf32, #tpu.memory_space<vmem>>
        %gather3A_343 = tpu.vector_load_idx %gather3A_342[%add3A_222, %and3A_333] : memref<128x128xf32, #tpu.memory_space<vmem>>[vector<16xi32>, vector<16xi32>], vector<16xf32>,
        %gather3A_344 = arith.constant 0 : i32
        %gather3A_345 = arith.constant 0 : i32
        %gather3A_346 = tpu.memref_slice %arg9[%scan3A_173, %gather3A_344, %gather3A_345] : memref<3x128x128xf32, #tpu.memory_space<vmem>> -> memref<1x128x128xf32, #tpu.memory_space<vmem>>
        %gather3A_347 = tpu.memref_squeeze %gather3A_346 : memref<1x128x128xf32, #tpu.memory_space<vmem>> -> memref<128x128xf32, #tpu.memory_space<vmem>>
        %gather3A_348 = tpu.vector_load_idx %gather3A_347[%add3A_225, %and3A_333] : memref<128x128xf32, #tpu.memory_space<vmem>>[vector<16xi32>, vector<16xi32>], vector<16xf32>,
        %gather3A_349 = arith.constant 0 : i32
        %gather3A_350 = arith.constant 0 : i32
        %gather3A_351 = tpu.memref_slice %arg10[%scan3A_174, %gather3A_349, %gather3A_350] : memref<3x128x128xf32, #tpu.memory_space<vmem>> -> memref<1x128x128xf32, #tpu.memory_space<vmem>>
        %gather3A_352 = tpu.memref_squeeze %gather3A_351 : memref<1x128x128xf32, #tpu.memory_space<vmem>> -> memref<128x128xf32, #tpu.memory_space<vmem>>
        %gather3A_353 = tpu.vector_load_idx %gather3A_352[%add3A_225, %and3A_333] : memref<128x128xf32, #tpu.memory_space<vmem>>[vector<16xi32>, vector<16xi32>], vector<16xf32>,
        %mul3A_354 = arith.mulf %gather3A_338, %gather3A_343 : vector<16xf32>
        %add3A_355 = arith.addf %add3A_289, %mul3A_354 : vector<16xf32>
        %mul3A_356 = arith.mulf %gather3A_348, %gather3A_353 : vector<16xf32>
        %add3A_357 = arith.addf %add3A_291, %mul3A_356 : vector<16xf32>
        %mul3A_358 = arith.constant 4 : i32
        %mul3A_359 = arith.muli %scan3A_256, %mul3A_358 : i32
        %add3A_360 = arith.constant 3 : i32
        %add3A_361 = arith.addi %mul3A_359, %add3A_360 : i32
        %add3A_362 = vector.broadcast %add3A_361 : i32 to vector<16xi32>
        %add3A_363 = arith.addi %iota3A, %add3A_362 : vector<16xi32>
        %and3A_364 = arith.constant 127 : i32
        %and3A_365 = vector.broadcast %and3A_364 : i32 to vector<16xi32>
        %and3A_366 = arith.andi %add3A_363, %and3A_365 : vector<16xi32>
        %gather3A_367 = arith.constant 0 : i32
        %gather3A_368 = arith.constant 0 : i32
        %gather3A_369 = tpu.memref_slice %arg9[%scan3A_173, %gather3A_367, %gather3A_368] : memref<3x128x128xf32, #tpu.memory_space<vmem>> -> memref<1x128x128xf32, #tpu.memory_space<vmem>>
        %gather3A_370 = tpu.memref_squeeze %gather3A_369 : memref<1x128x128xf32, #tpu.memory_space<vmem>> -> memref<128x128xf32, #tpu.memory_space<vmem>>
        %gather3A_371 = tpu.vector_load_idx %gather3A_370[%add3A_222, %and3A_366] : memref<128x128xf32, #tpu.memory_space<vmem>>[vector<16xi32>, vector<16xi32>], vector<16xf32>,
        %gather3A_372 = arith.constant 0 : i32
        %gather3A_373 = arith.constant 0 : i32
        %gather3A_374 = tpu.memref_slice %arg10[%scan3A_174, %gather3A_372, %gather3A_373] : memref<3x128x128xf32, #tpu.memory_space<vmem>> -> memref<1x128x128xf32, #tpu.memory_space<vmem>>
        %gather3A_375 = tpu.memref_squeeze %gather3A_374 : memref<1x128x128xf32, #tpu.memory_space<vmem>> -> memref<128x128xf32, #tpu.memory_space<vmem>>
        %gather3A_376 = tpu.vector_load_idx %gather3A_375[%add3A_222, %and3A_366] : memref<128x128xf32, #tpu.memory_space<vmem>>[vector<16xi32>, vector<16xi32>], vector<16xf32>,
        %gather3A_377 = arith.constant 0 : i32
        %gather3A_378 = arith.constant 0 : i32
        %gather3A_379 = tpu.memref_slice %arg9[%scan3A_173, %gather3A_377, %gather3A_378] : memref<3x128x128xf32, #tpu.memory_space<vmem>> -> memref<1x128x128xf32, #tpu.memory_space<vmem>>
        %gather3A_380 = tpu.memref_squeeze %gather3A_379 : memref<1x128x128xf32, #tpu.memory_space<vmem>> -> memref<128x128xf32, #tpu.memory_space<vmem>>
        %gather3A_381 = tpu.vector_load_idx %gather3A_380[%add3A_225, %and3A_366] : memref<128x128xf32, #tpu.memory_space<vmem>>[vector<16xi32>, vector<16xi32>], vector<16xf32>,
        %gather3A_382 = arith.constant 0 : i32
        %gather3A_383 = arith.constant 0 : i32
        %gather3A_384 = tpu.memref_slice %arg10[%scan3A_174, %gather3A_382, %gather3A_383] : memref<3x128x128xf32, #tpu.memory_space<vmem>> -> memref<1x128x128xf32, #tpu.memory_space<vmem>>
        %gather3A_385 = tpu.memref_squeeze %gather3A_384 : memref<1x128x128xf32, #tpu.memory_space<vmem>> -> memref<128x128xf32, #tpu.memory_space<vmem>>
        %gather3A_386 = tpu.vector_load_idx %gather3A_385[%add3A_225, %and3A_366] : memref<128x128xf32, #tpu.memory_space<vmem>>[vector<16xi32>, vector<16xi32>], vector<16xf32>,
        %mul3A_387 = arith.mulf %gather3A_371, %gather3A_376 : vector<16xf32>
        %add3A_388 = arith.addf %add3A_322, %mul3A_387 : vector<16xf32>
        %mul3A_389 = arith.mulf %gather3A_381, %gather3A_386 : vector<16xf32>
        %add3A_390 = arith.addf %add3A_324, %mul3A_389 : vector<16xf32>
        scf.yield %add3A_355, %add3A_388, %add3A_357, %add3A_390 : vector<16xf32>, vector<16xf32>, vector<16xf32>, vector<16xf32>
      }
      %scan3A_231 = arith.constant 32 : i32
      %add3A_232 = arith.addf %scan3A_230#0, %scan3A_230#1 : vector<16xf32>
      %mul3A_233 = vector.broadcast %scan3A_175 : f32 to vector<16xf32>
      %mul3A_234 = arith.mulf %add3A_232, %mul3A_233 : vector<16xf32>
      %mul3A_235 = arith.constant 2 : i32
      %mul3A_236 = arith.muli %scan3A_215, %mul3A_235 : i32
      %mul3A_237 = arith.constant 16 : i32
      %mul3A_238 = arith.muli %mul3A_236, %mul3A_237 : i32
      %add3A_239 = arith.constant 256 : i32
      %add3A_240 = arith.addi %add3A_239, %mul3A_238 : i32
      %swap3A = arith.index_cast %add3A_240 : i32 to index
      %swap3A_241 = tpu.vector_load %arg11[%swap3A] {strides = array<i32>} : memref<512xf32, #tpu.memory_space<vmem>>, vector<16xf32>,
      tpu.vector_store %arg11[%swap3A], %mul3A_234 {strides = array<i32>} : memref<512xf32, #tpu.memory_space<vmem>>, vector<16xf32>,
      %add3A_242 = arith.addf %scan3A_230#2, %scan3A_230#3 : vector<16xf32>
      %mul3A_243 = vector.broadcast %scan3A_175 : f32 to vector<16xf32>
      %mul3A_244 = arith.mulf %add3A_242, %mul3A_243 : vector<16xf32>
      %mul3A_245 = arith.constant 2 : i32
      %mul3A_246 = arith.muli %scan3A_215, %mul3A_245 : i32
      %mul3A_247 = arith.constant 16 : i32
      %mul3A_248 = arith.muli %mul3A_246, %mul3A_247 : i32
      %add3A_249 = arith.constant 256 : i32
      %add3A_250 = arith.addi %add3A_249, %mul3A_248 : i32
      %add3A_251 = arith.constant 16 : i32
      %add3A_252 = arith.addi %add3A_250, %add3A_251 : i32
      %swap3A_253 = arith.index_cast %add3A_252 : i32 to index
      %swap3A_254 = tpu.vector_load %arg11[%swap3A_253] {strides = array<i32>} : memref<512xf32, #tpu.memory_space<vmem>>, vector<16xf32>,
      tpu.vector_store %arg11[%swap3A_253], %mul3A_244 {strides = array<i32>} : memref<512xf32, #tpu.memory_space<vmem>>, vector<16xf32>,
      %scan3A_255 = arith.constant 0 : i32
      scf.yield %scan3A_255 : i32
    }
    %scan3A_182 = arith.constant 4 : i32
    %dma_wait3A_183 = arith.constant 0 : i32
    %dma_wait3A_184 = arith.constant 0 : i32
    %dma_wait3A_185 = arith.constant 0 : i32
    %dma_wait3A_186 = tpu.memref_slice %arg9[%dma_wait3A_183, %dma_wait3A_184, %dma_wait3A_185] : memref<3x128x128xf32, #tpu.memory_space<vmem>> -> memref<1x128x128xf32, #tpu.memory_space<vmem>>
    %dma_wait3A_187 = tpu.memref_squeeze %dma_wait3A_186 : memref<1x128x128xf32, #tpu.memory_space<vmem>> -> memref<128x128xf32, #tpu.memory_space<vmem>>
    %dma_wait3A_188 = arith.constant 384 : i32
    %dma_wait3A_189 = tpu.memref_slice %arg7[%dma_wait3A_188] : memref<512xi32, #tpu.memory_space<vmem>> -> memref<128xi32, #tpu.memory_space<vmem>>
    %dma_wait3A_190 = arith.constant 0 : i32
    %dma_wait3A_191 = arith.constant 0 : i32
    %dma_wait3A_192 = tpu.memref_slice %arg4[%dma_wait3A_190, %dma_wait3A_191] : memref<1000000x128xf32, #tpu.memory_space<hbm>> -> memref<1000000x128xf32, #tpu.memory_space<hbm>>
    tpu.wait_indirect_dma semaphore(%arg12 : memref<!tpu.dma_semaphore, #tpu.memory_space<semaphore_mem>>) src(%dma_wait3A_192 : memref<1000000x128xf32, #tpu.memory_space<hbm>>) dst(%dma_wait3A_187 : memref<128x128xf32, #tpu.memory_space<vmem>>)
    %dma_wait3A_193 = arith.constant 0 : i32
    %dma_wait3A_194 = arith.constant 0 : i32
    %dma_wait3A_195 = arith.constant 0 : i32
    %dma_wait3A_196 = tpu.memref_slice %arg10[%dma_wait3A_193, %dma_wait3A_194, %dma_wait3A_195] : memref<3x128x128xf32, #tpu.memory_space<vmem>> -> memref<1x128x128xf32, #tpu.memory_space<vmem>>
    %dma_wait3A_197 = tpu.memref_squeeze %dma_wait3A_196 : memref<1x128x128xf32, #tpu.memory_space<vmem>> -> memref<128x128xf32, #tpu.memory_space<vmem>>
    %dma_wait3A_198 = arith.constant 384 : i32
    %dma_wait3A_199 = tpu.memref_slice %arg8[%dma_wait3A_198] : memref<512xi32, #tpu.memory_space<vmem>> -> memref<128xi32, #tpu.memory_space<vmem>>
    %dma_wait3A_200 = arith.constant 0 : i32
    %dma_wait3A_201 = arith.constant 0 : i32
    %dma_wait3A_202 = tpu.memref_slice %arg5[%dma_wait3A_200, %dma_wait3A_201] : memref<100000x128xf32, #tpu.memory_space<hbm>> -> memref<100000x128xf32, #tpu.memory_space<hbm>>
    tpu.wait_indirect_dma semaphore(%arg15 : memref<!tpu.dma_semaphore, #tpu.memory_space<semaphore_mem>>) src(%dma_wait3A_202 : memref<100000x128xf32, #tpu.memory_space<hbm>>) dst(%dma_wait3A_197 : memref<128x128xf32, #tpu.memory_space<vmem>>)
    %broadcast_in_dim3A_203 = arith.constant 0.000000e+00 : f32
    %broadcast_in_dim3A_204 = vector.broadcast %broadcast_in_dim3A_203 : f32 to vector<16xf32>
    %scan3A_205 = arith.constant 0 : i32
    %scan3A_206 = arith.constant 0 : i32
    %scan3A_207 = arith.constant 7.812500e-03 : f32
    %scan3A_208 = arith.constant 0 : i32
    %scan3A_209 = arith.constant 0 : i32
    %scan3A_210 = arith.constant 4 : i32
    %scan3A_211 = arith.addi %scan3A_209, %scan3A_210 : i32
    %scan3A_212 = arith.constant 1 : i32
    %scan3A_213 = scf.for %scan3A_215 = %scan3A_209 to %scan3A_211 step %scan3A_212 iter_args(%scan3A_216 = %scan3A_208) -> (i32)  : i32 {
      %mul3A_217 = arith.constant 2 : i32
      %mul3A_218 = arith.muli %scan3A_215, %mul3A_217 : i32
      %mul3A_219 = arith.constant 16 : i32
      %mul3A_220 = arith.muli %mul3A_218, %mul3A_219 : i32
      %add3A_221 = vector.broadcast %mul3A_220 : i32 to vector<16xi32>
      %add3A_222 = arith.addi %add3A_221, %iota3A : vector<16xi32>
      %add3A_223 = arith.constant 16 : i32
      %add3A_224 = vector.broadcast %add3A_223 : i32 to vector<16xi32>
      %add3A_225 = arith.addi %add3A_222, %add3A_224 : vector<16xi32>
      %scan3A_226 = arith.constant 0 : i32
      %scan3A_227 = arith.constant 32 : i32
      %scan3A_228 = arith.addi %scan3A_226, %scan3A_227 : i32
      %scan3A_229 = arith.constant 1 : i32
      %scan3A_230:4 = scf.for %scan3A_256 = %scan3A_226 to %scan3A_228 step %scan3A_229 iter_args(%scan3A_257 = %broadcast_in_dim3A_204, %scan3A_258 = %broadcast_in_dim3A_204, %scan3A_259 = %broadcast_in_dim3A_204, %scan3A_260 = %broadcast_in_dim3A_204) -> (vector<16xf32>, vector<16xf32>, vector<16xf32>, vector<16xf32>)  : i32 {
        %mul3A_261 = arith.constant 4 : i32
        %mul3A_262 = arith.muli %scan3A_256, %mul3A_261 : i32
        %add3A_263 = arith.constant 0 : i32
        %add3A_264 = arith.addi %mul3A_262, %add3A_263 : i32
        %add3A_265 = vector.broadcast %add3A_264 : i32 to vector<16xi32>
        %add3A_266 = arith.addi %iota3A, %add3A_265 : vector<16xi32>
        %and3A = arith.constant 127 : i32
        %and3A_267 = vector.broadcast %and3A : i32 to vector<16xi32>
        %and3A_268 = arith.andi %add3A_266, %and3A_267 : vector<16xi32>
        %gather3A = arith.constant 0 : i32
        %gather3A_269 = arith.constant 0 : i32
        %gather3A_270 = tpu.memref_slice %arg9[%scan3A_205, %gather3A, %gather3A_269] : memref<3x128x128xf32, #tpu.memory_space<vmem>> -> memref<1x128x128xf32, #tpu.memory_space<vmem>>
        %gather3A_271 = tpu.memref_squeeze %gather3A_270 : memref<1x128x128xf32, #tpu.memory_space<vmem>> -> memref<128x128xf32, #tpu.memory_space<vmem>>
        %gather3A_272 = tpu.vector_load_idx %gather3A_271[%add3A_222, %and3A_268] : memref<128x128xf32, #tpu.memory_space<vmem>>[vector<16xi32>, vector<16xi32>], vector<16xf32>,
        %gather3A_273 = arith.constant 0 : i32
        %gather3A_274 = arith.constant 0 : i32
        %gather3A_275 = tpu.memref_slice %arg10[%scan3A_206, %gather3A_273, %gather3A_274] : memref<3x128x128xf32, #tpu.memory_space<vmem>> -> memref<1x128x128xf32, #tpu.memory_space<vmem>>
        %gather3A_276 = tpu.memref_squeeze %gather3A_275 : memref<1x128x128xf32, #tpu.memory_space<vmem>> -> memref<128x128xf32, #tpu.memory_space<vmem>>
        %gather3A_277 = tpu.vector_load_idx %gather3A_276[%add3A_222, %and3A_268] : memref<128x128xf32, #tpu.memory_space<vmem>>[vector<16xi32>, vector<16xi32>], vector<16xf32>,
        %gather3A_278 = arith.constant 0 : i32
        %gather3A_279 = arith.constant 0 : i32
        %gather3A_280 = tpu.memref_slice %arg9[%scan3A_205, %gather3A_278, %gather3A_279] : memref<3x128x128xf32, #tpu.memory_space<vmem>> -> memref<1x128x128xf32, #tpu.memory_space<vmem>>
        %gather3A_281 = tpu.memref_squeeze %gather3A_280 : memref<1x128x128xf32, #tpu.memory_space<vmem>> -> memref<128x128xf32, #tpu.memory_space<vmem>>
        %gather3A_282 = tpu.vector_load_idx %gather3A_281[%add3A_225, %and3A_268] : memref<128x128xf32, #tpu.memory_space<vmem>>[vector<16xi32>, vector<16xi32>], vector<16xf32>,
        %gather3A_283 = arith.constant 0 : i32
        %gather3A_284 = arith.constant 0 : i32
        %gather3A_285 = tpu.memref_slice %arg10[%scan3A_206, %gather3A_283, %gather3A_284] : memref<3x128x128xf32, #tpu.memory_space<vmem>> -> memref<1x128x128xf32, #tpu.memory_space<vmem>>
        %gather3A_286 = tpu.memref_squeeze %gather3A_285 : memref<1x128x128xf32, #tpu.memory_space<vmem>> -> memref<128x128xf32, #tpu.memory_space<vmem>>
        %gather3A_287 = tpu.vector_load_idx %gather3A_286[%add3A_225, %and3A_268] : memref<128x128xf32, #tpu.memory_space<vmem>>[vector<16xi32>, vector<16xi32>], vector<16xf32>,
        %mul3A_288 = arith.mulf %gather3A_272, %gather3A_277 : vector<16xf32>
        %add3A_289 = arith.addf %scan3A_257, %mul3A_288 : vector<16xf32>
        %mul3A_290 = arith.mulf %gather3A_282, %gather3A_287 : vector<16xf32>
        %add3A_291 = arith.addf %scan3A_259, %mul3A_290 : vector<16xf32>
        %mul3A_292 = arith.constant 4 : i32
        %mul3A_293 = arith.muli %scan3A_256, %mul3A_292 : i32
        %add3A_294 = arith.constant 1 : i32
        %add3A_295 = arith.addi %mul3A_293, %add3A_294 : i32
        %add3A_296 = vector.broadcast %add3A_295 : i32 to vector<16xi32>
        %add3A_297 = arith.addi %iota3A, %add3A_296 : vector<16xi32>
        %and3A_298 = arith.constant 127 : i32
        %and3A_299 = vector.broadcast %and3A_298 : i32 to vector<16xi32>
        %and3A_300 = arith.andi %add3A_297, %and3A_299 : vector<16xi32>
        %gather3A_301 = arith.constant 0 : i32
        %gather3A_302 = arith.constant 0 : i32
        %gather3A_303 = tpu.memref_slice %arg9[%scan3A_205, %gather3A_301, %gather3A_302] : memref<3x128x128xf32, #tpu.memory_space<vmem>> -> memref<1x128x128xf32, #tpu.memory_space<vmem>>
        %gather3A_304 = tpu.memref_squeeze %gather3A_303 : memref<1x128x128xf32, #tpu.memory_space<vmem>> -> memref<128x128xf32, #tpu.memory_space<vmem>>
        %gather3A_305 = tpu.vector_load_idx %gather3A_304[%add3A_222, %and3A_300] : memref<128x128xf32, #tpu.memory_space<vmem>>[vector<16xi32>, vector<16xi32>], vector<16xf32>,
        %gather3A_306 = arith.constant 0 : i32
        %gather3A_307 = arith.constant 0 : i32
        %gather3A_308 = tpu.memref_slice %arg10[%scan3A_206, %gather3A_306, %gather3A_307] : memref<3x128x128xf32, #tpu.memory_space<vmem>> -> memref<1x128x128xf32, #tpu.memory_space<vmem>>
        %gather3A_309 = tpu.memref_squeeze %gather3A_308 : memref<1x128x128xf32, #tpu.memory_space<vmem>> -> memref<128x128xf32, #tpu.memory_space<vmem>>
        %gather3A_310 = tpu.vector_load_idx %gather3A_309[%add3A_222, %and3A_300] : memref<128x128xf32, #tpu.memory_space<vmem>>[vector<16xi32>, vector<16xi32>], vector<16xf32>,
        %gather3A_311 = arith.constant 0 : i32
        %gather3A_312 = arith.constant 0 : i32
        %gather3A_313 = tpu.memref_slice %arg9[%scan3A_205, %gather3A_311, %gather3A_312] : memref<3x128x128xf32, #tpu.memory_space<vmem>> -> memref<1x128x128xf32, #tpu.memory_space<vmem>>
        %gather3A_314 = tpu.memref_squeeze %gather3A_313 : memref<1x128x128xf32, #tpu.memory_space<vmem>> -> memref<128x128xf32, #tpu.memory_space<vmem>>
        %gather3A_315 = tpu.vector_load_idx %gather3A_314[%add3A_225, %and3A_300] : memref<128x128xf32, #tpu.memory_space<vmem>>[vector<16xi32>, vector<16xi32>], vector<16xf32>,
        %gather3A_316 = arith.constant 0 : i32
        %gather3A_317 = arith.constant 0 : i32
        %gather3A_318 = tpu.memref_slice %arg10[%scan3A_206, %gather3A_316, %gather3A_317] : memref<3x128x128xf32, #tpu.memory_space<vmem>> -> memref<1x128x128xf32, #tpu.memory_space<vmem>>
        %gather3A_319 = tpu.memref_squeeze %gather3A_318 : memref<1x128x128xf32, #tpu.memory_space<vmem>> -> memref<128x128xf32, #tpu.memory_space<vmem>>
        %gather3A_320 = tpu.vector_load_idx %gather3A_319[%add3A_225, %and3A_300] : memref<128x128xf32, #tpu.memory_space<vmem>>[vector<16xi32>, vector<16xi32>], vector<16xf32>,
        %mul3A_321 = arith.mulf %gather3A_305, %gather3A_310 : vector<16xf32>
        %add3A_322 = arith.addf %scan3A_258, %mul3A_321 : vector<16xf32>
        %mul3A_323 = arith.mulf %gather3A_315, %gather3A_320 : vector<16xf32>
        %add3A_324 = arith.addf %scan3A_260, %mul3A_323 : vector<16xf32>
        %mul3A_325 = arith.constant 4 : i32
        %mul3A_326 = arith.muli %scan3A_256, %mul3A_325 : i32
        %add3A_327 = arith.constant 2 : i32
        %add3A_328 = arith.addi %mul3A_326, %add3A_327 : i32
        %add3A_329 = vector.broadcast %add3A_328 : i32 to vector<16xi32>
        %add3A_330 = arith.addi %iota3A, %add3A_329 : vector<16xi32>
        %and3A_331 = arith.constant 127 : i32
        %and3A_332 = vector.broadcast %and3A_331 : i32 to vector<16xi32>
        %and3A_333 = arith.andi %add3A_330, %and3A_332 : vector<16xi32>
        %gather3A_334 = arith.constant 0 : i32
        %gather3A_335 = arith.constant 0 : i32
        %gather3A_336 = tpu.memref_slice %arg9[%scan3A_205, %gather3A_334, %gather3A_335] : memref<3x128x128xf32, #tpu.memory_space<vmem>> -> memref<1x128x128xf32, #tpu.memory_space<vmem>>
        %gather3A_337 = tpu.memref_squeeze %gather3A_336 : memref<1x128x128xf32, #tpu.memory_space<vmem>> -> memref<128x128xf32, #tpu.memory_space<vmem>>
        %gather3A_338 = tpu.vector_load_idx %gather3A_337[%add3A_222, %and3A_333] : memref<128x128xf32, #tpu.memory_space<vmem>>[vector<16xi32>, vector<16xi32>], vector<16xf32>,
        %gather3A_339 = arith.constant 0 : i32
        %gather3A_340 = arith.constant 0 : i32
        %gather3A_341 = tpu.memref_slice %arg10[%scan3A_206, %gather3A_339, %gather3A_340] : memref<3x128x128xf32, #tpu.memory_space<vmem>> -> memref<1x128x128xf32, #tpu.memory_space<vmem>>
        %gather3A_342 = tpu.memref_squeeze %gather3A_341 : memref<1x128x128xf32, #tpu.memory_space<vmem>> -> memref<128x128xf32, #tpu.memory_space<vmem>>
        %gather3A_343 = tpu.vector_load_idx %gather3A_342[%add3A_222, %and3A_333] : memref<128x128xf32, #tpu.memory_space<vmem>>[vector<16xi32>, vector<16xi32>], vector<16xf32>,
        %gather3A_344 = arith.constant 0 : i32
        %gather3A_345 = arith.constant 0 : i32
        %gather3A_346 = tpu.memref_slice %arg9[%scan3A_205, %gather3A_344, %gather3A_345] : memref<3x128x128xf32, #tpu.memory_space<vmem>> -> memref<1x128x128xf32, #tpu.memory_space<vmem>>
        %gather3A_347 = tpu.memref_squeeze %gather3A_346 : memref<1x128x128xf32, #tpu.memory_space<vmem>> -> memref<128x128xf32, #tpu.memory_space<vmem>>
        %gather3A_348 = tpu.vector_load_idx %gather3A_347[%add3A_225, %and3A_333] : memref<128x128xf32, #tpu.memory_space<vmem>>[vector<16xi32>, vector<16xi32>], vector<16xf32>,
        %gather3A_349 = arith.constant 0 : i32
        %gather3A_350 = arith.constant 0 : i32
        %gather3A_351 = tpu.memref_slice %arg10[%scan3A_206, %gather3A_349, %gather3A_350] : memref<3x128x128xf32, #tpu.memory_space<vmem>> -> memref<1x128x128xf32, #tpu.memory_space<vmem>>
        %gather3A_352 = tpu.memref_squeeze %gather3A_351 : memref<1x128x128xf32, #tpu.memory_space<vmem>> -> memref<128x128xf32, #tpu.memory_space<vmem>>
        %gather3A_353 = tpu.vector_load_idx %gather3A_352[%add3A_225, %and3A_333] : memref<128x128xf32, #tpu.memory_space<vmem>>[vector<16xi32>, vector<16xi32>], vector<16xf32>,
        %mul3A_354 = arith.mulf %gather3A_338, %gather3A_343 : vector<16xf32>
        %add3A_355 = arith.addf %add3A_289, %mul3A_354 : vector<16xf32>
        %mul3A_356 = arith.mulf %gather3A_348, %gather3A_353 : vector<16xf32>
        %add3A_357 = arith.addf %add3A_291, %mul3A_356 : vector<16xf32>
        %mul3A_358 = arith.constant 4 : i32
        %mul3A_359 = arith.muli %scan3A_256, %mul3A_358 : i32
        %add3A_360 = arith.constant 3 : i32
        %add3A_361 = arith.addi %mul3A_359, %add3A_360 : i32
        %add3A_362 = vector.broadcast %add3A_361 : i32 to vector<16xi32>
        %add3A_363 = arith.addi %iota3A, %add3A_362 : vector<16xi32>
        %and3A_364 = arith.constant 127 : i32
        %and3A_365 = vector.broadcast %and3A_364 : i32 to vector<16xi32>
        %and3A_366 = arith.andi %add3A_363, %and3A_365 : vector<16xi32>
        %gather3A_367 = arith.constant 0 : i32
        %gather3A_368 = arith.constant 0 : i32
        %gather3A_369 = tpu.memref_slice %arg9[%scan3A_205, %gather3A_367, %gather3A_368] : memref<3x128x128xf32, #tpu.memory_space<vmem>> -> memref<1x128x128xf32, #tpu.memory_space<vmem>>
        %gather3A_370 = tpu.memref_squeeze %gather3A_369 : memref<1x128x128xf32, #tpu.memory_space<vmem>> -> memref<128x128xf32, #tpu.memory_space<vmem>>
        %gather3A_371 = tpu.vector_load_idx %gather3A_370[%add3A_222, %and3A_366] : memref<128x128xf32, #tpu.memory_space<vmem>>[vector<16xi32>, vector<16xi32>], vector<16xf32>,
        %gather3A_372 = arith.constant 0 : i32
        %gather3A_373 = arith.constant 0 : i32
        %gather3A_374 = tpu.memref_slice %arg10[%scan3A_206, %gather3A_372, %gather3A_373] : memref<3x128x128xf32, #tpu.memory_space<vmem>> -> memref<1x128x128xf32, #tpu.memory_space<vmem>>
        %gather3A_375 = tpu.memref_squeeze %gather3A_374 : memref<1x128x128xf32, #tpu.memory_space<vmem>> -> memref<128x128xf32, #tpu.memory_space<vmem>>
        %gather3A_376 = tpu.vector_load_idx %gather3A_375[%add3A_222, %and3A_366] : memref<128x128xf32, #tpu.memory_space<vmem>>[vector<16xi32>, vector<16xi32>], vector<16xf32>,
        %gather3A_377 = arith.constant 0 : i32
        %gather3A_378 = arith.constant 0 : i32
        %gather3A_379 = tpu.memref_slice %arg9[%scan3A_205, %gather3A_377, %gather3A_378] : memref<3x128x128xf32, #tpu.memory_space<vmem>> -> memref<1x128x128xf32, #tpu.memory_space<vmem>>
        %gather3A_380 = tpu.memref_squeeze %gather3A_379 : memref<1x128x128xf32, #tpu.memory_space<vmem>> -> memref<128x128xf32, #tpu.memory_space<vmem>>
        %gather3A_381 = tpu.vector_load_idx %gather3A_380[%add3A_225, %and3A_366] : memref<128x128xf32, #tpu.memory_space<vmem>>[vector<16xi32>, vector<16xi32>], vector<16xf32>,
        %gather3A_382 = arith.constant 0 : i32
        %gather3A_383 = arith.constant 0 : i32
        %gather3A_384 = tpu.memref_slice %arg10[%scan3A_206, %gather3A_382, %gather3A_383] : memref<3x128x128xf32, #tpu.memory_space<vmem>> -> memref<1x128x128xf32, #tpu.memory_space<vmem>>
        %gather3A_385 = tpu.memref_squeeze %gather3A_384 : memref<1x128x128xf32, #tpu.memory_space<vmem>> -> memref<128x128xf32, #tpu.memory_space<vmem>>
        %gather3A_386 = tpu.vector_load_idx %gather3A_385[%add3A_225, %and3A_366] : memref<128x128xf32, #tpu.memory_space<vmem>>[vector<16xi32>, vector<16xi32>], vector<16xf32>,
        %mul3A_387 = arith.mulf %gather3A_371, %gather3A_376 : vector<16xf32>
        %add3A_388 = arith.addf %add3A_322, %mul3A_387 : vector<16xf32>
        %mul3A_389 = arith.mulf %gather3A_381, %gather3A_386 : vector<16xf32>
        %add3A_390 = arith.addf %add3A_324, %mul3A_389 : vector<16xf32>
        scf.yield %add3A_355, %add3A_388, %add3A_357, %add3A_390 : vector<16xf32>, vector<16xf32>, vector<16xf32>, vector<16xf32>
      }
      %scan3A_231 = arith.constant 32 : i32
      %add3A_232 = arith.addf %scan3A_230#0, %scan3A_230#1 : vector<16xf32>
      %mul3A_233 = vector.broadcast %scan3A_207 : f32 to vector<16xf32>
      %mul3A_234 = arith.mulf %add3A_232, %mul3A_233 : vector<16xf32>
      %mul3A_235 = arith.constant 2 : i32
      %mul3A_236 = arith.muli %scan3A_215, %mul3A_235 : i32
      %mul3A_237 = arith.constant 16 : i32
      %mul3A_238 = arith.muli %mul3A_236, %mul3A_237 : i32
      %add3A_239 = arith.constant 384 : i32
      %add3A_240 = arith.addi %add3A_239, %mul3A_238 : i32
      %swap3A = arith.index_cast %add3A_240 : i32 to index
      %swap3A_241 = tpu.vector_load %arg11[%swap3A] {strides = array<i32>} : memref<512xf32, #tpu.memory_space<vmem>>, vector<16xf32>,
      tpu.vector_store %arg11[%swap3A], %mul3A_234 {strides = array<i32>} : memref<512xf32, #tpu.memory_space<vmem>>, vector<16xf32>,
      %add3A_242 = arith.addf %scan3A_230#2, %scan3A_230#3 : vector<16xf32>
      %mul3A_243 = vector.broadcast %scan3A_207 : f32 to vector<16xf32>
      %mul3A_244 = arith.mulf %add3A_242, %mul3A_243 : vector<16xf32>
      %mul3A_245 = arith.constant 2 : i32
      %mul3A_246 = arith.muli %scan3A_215, %mul3A_245 : i32
      %mul3A_247 = arith.constant 16 : i32
      %mul3A_248 = arith.muli %mul3A_246, %mul3A_247 : i32
      %add3A_249 = arith.constant 384 : i32
      %add3A_250 = arith.addi %add3A_249, %mul3A_248 : i32
      %add3A_251 = arith.constant 16 : i32
      %add3A_252 = arith.addi %add3A_250, %add3A_251 : i32
      %swap3A_253 = arith.index_cast %add3A_252 : i32 to index
      %swap3A_254 = tpu.vector_load %arg11[%swap3A_253] {strides = array<i32>} : memref<512xf32, #tpu.memory_space<vmem>>, vector<16xf32>,
      tpu.vector_store %arg11[%swap3A_253], %mul3A_244 {strides = array<i32>} : memref<512xf32, #tpu.memory_space<vmem>>, vector<16xf32>,
      %scan3A_255 = arith.constant 0 : i32
      scf.yield %scan3A_255 : i32
    }
    %scan3A_214 = arith.constant 4 : i32
    "tpu.region"() ({
      %run_scoped3A = tpu.sem_alloc : memref<!tpu.dma_semaphore, #tpu.memory_space<semaphore_mem>>
      %dma_start3A_215 = tpu.memref_slice %arg6[%mul3A_2] : memref<16384xf32, #tpu.memory_space<hbm>> -> memref<512xf32, #tpu.memory_space<hbm>>
      %dma_start3A_216 = tpu.memref_slice %arg6[%mul3A_2] : memref<16384xf32, #tpu.memory_space<hbm>> -> memref<512xf32, #tpu.memory_space<hbm>>
      tpu.enqueue_dma source(%arg11 : memref<512xf32, #tpu.memory_space<vmem>>) target(%dma_start3A_216 : memref<512xf32, #tpu.memory_space<hbm>>) target_semaphore(%run_scoped3A : memref<!tpu.dma_semaphore, #tpu.memory_space<semaphore_mem>>)
      %dma_wait3A_217 = tpu.memref_slice %arg6[%mul3A_2] : memref<16384xf32, #tpu.memory_space<hbm>> -> memref<512xf32, #tpu.memory_space<hbm>>
      %dma_wait3A_218 = tpu.memref_slice %arg6[%mul3A_2] : memref<16384xf32, #tpu.memory_space<hbm>> -> memref<512xf32, #tpu.memory_space<hbm>>
      tpu.wait_dma2 semaphore(%run_scoped3A : memref<!tpu.dma_semaphore, #tpu.memory_space<semaphore_mem>>) src(%arg11 : memref<512xf32, #tpu.memory_space<vmem>>) dst(%dma_wait3A_218 : memref<512xf32, #tpu.memory_space<hbm>>)
      tpu.yield
    }) : () -> ()
    return
  }
}

</mosaic_0001>

<sc_bundles>
// kernel: kernel.3.cloned.1.call-start
scs
__scs_entry_jumppad:
0x0: {  	(pc) =	sbr.rel $0x88, $3  }
0x1: {  	(tag) =	ssettag $0x0;
	lr =	simm.s32 $0x1  }
0x2: {  	[smem:$0x3F9D] =	sst lr;
	_ =	strace $0xD0000000  }
0x3: {  	_ = 	snop  }
0x4: {  	_ = 	snop  }
0x5: {  	_ = 	snop  }
0x6: {  	_ = 	snop  }
0x7: {  	_ = 	snop  }
__scs_overlays_trampoline_lowered:
0x8: {  	[smem:$0x3FAC] =	sst s0  }
0x9: {  	[smem:$0x3FAD] =	sst s1  }
0xa: {  	[smem:$0x3FAE] =	sst s2  }
0xb: {  	[smem:$0x3FAF] =	sst s3  }
0xc: {  	[smem:$0x3FB0] =	sst s4  }
0xd: {  	[smem:$0x3FB1] =	sst s5  }
0xe: {  	[smem:$0x3FB2] =	sst s6  }
0xf: {  	[smem:$0x3FB3] =	sst s7  }
0x10: {  	[smem:$0x3FB4] =	sst s8  }
0x11: {  	[smem:$0x3FB5] =	sst s9;
	s0 =	simm.s32 @!p0 $0x0  }
0x12: {  	s1 =	sld [smem:$0x3F9B];
	s0 =	simm.s32 @p0 $0x1  }
0x13: {  	[smem:$0x3FB6] =	sst s0;
	s0 =	simm.s32 @!p1 $0x0  }
0x14: {  	s2 =	sld [smem:$0x3F9A];
	s0 =	simm.s32 @p1 $0x1  }
0x15: {  	[smem:$0x3FB7] =	sst s0;
	s0 =	simm.s32 @!p2 $0x0  }
0x16: {  	s3 =	sld [smem:$0x3FDB];
	s0 =	simm.s32 @p2 $0x1  }
0x17: {  	s4 =	simm.s32 $0x1BF5;
	[smem:$0x3FB9] =	sst s0  }
0x18: {  	s0 =	sld [smem:$0x3F9C];
	_ =	swait.ge [sflag:s4], $0x0  }
0x19: {  	s7 =	sld [smem:$0x3F9D]  }
0x1a: {  	s8 =	sadd.s32 $0xFFFFE003, lr  }
0x1b: {  	s9 =	sadd.s32 $0xFFFFFEF7, lr;
	s5 =	simm.s32 $0xFFFFFFFF;
	p2 =	slt.u32 s8, $0xFFFFF086  }
0x1c: {  	p1 =	slt.u32 s9, $0xF7A;
	s5 =	simm.s32 @!p2 $0x0  }
0x1d: {  	s5 =	simm.s32 @p1 $0x1;
	p0 =	seq.s32 s7, s2  }
0x1e: {  	s7 =	smul.u32 @!p0 $0xF7A, s2;
	p2 =	seq.s32 @!p0 s5, $0x0  }
0x1f: {  	s9 =	smul.u32 $0xF7A, s1;
	s8 =	simm.s32 @!p0 $0x1BF5;
	p2 =	por !p2, p0  }
0x20: {  	[sflag:s8] =	ssyncset.s32 @!p0 $0xFFFFF086;
	s6 =	sadd.s32 @!p0 s3, s7;
	s7 =	simm.s32 @!p0 $0x108  }
0x21: {  	s3 =	sadd.s32 s3, s9;
	s6 =	sadd.s32 @!p0 $0x88, s6;
	s7 =	simm.s32 @p2 $0x1082  }
0x22: {  	[simem:s7], [sflag:s8] =	dma.local @!p0 [hbm:s6], $0xF7A  }
0x23: {  	s9 =	sor.u32 $0xD0000000, s2;
	s6 =	simm.s32 $0x108;
	_ =	swait.ge @!p0 [sflag:s8], $0x0  }
0x24: {  	s3 =	sadd.s32 $0x88, s3;
	s6 =	simm.s32 @!p1 $0x1082;
	[sflag:s4] =	ssyncset.s32 $0xFFFFF086  }
0x25: {  	[simem:s6], [sflag:s4] =	dma.local [hbm:s3], $0xF7A  }
0x26: {  	[smem:$0x3F9D] =	sst s1;
	(tag) =	ssettag s2;
	_ =	strace s9  }
0x27: {  	s1 =	sld [smem:$0x3FAD]  }
0x28: {  	s2 =	sld [smem:$0x3FAE]  }
0x29: {  	s4 =	sld [smem:$0x3FB0]  }
0x2a: {  	p0 =	seq.s32 s5, $0x0;
	s5 =	sld [smem:$0x3FB1]  }
0x2b: {  	s6 =	sld [smem:$0x3FB2]  }
0x2c: {  	s7 =	sld [smem:$0x3FB3]  }
0x2d: {  	s3 =	simm.s32 $0x108;
	s8 =	sld [smem:$0x3FB4]  }
0x2e: {  	s3 =	simm.s32 @!p0 $0x1082;
	s9 =	sld [smem:$0x3FB5]  }
0x2f: {  	lr =	sadd.s32 s0, s3;
	s0 =	sld [smem:$0x3FAC]  }
0x30: {  	s3 =	sld [smem:$0x3FAF]  }
0x31: {  	[smem:$0x3FB8] =	sst s10  }
0x32: {  	s10 =	sld [smem:$0x3FB6];
	_ =	sdelay $0x3  }
0x33: {  	p0 =	seq.s32 s10, $0x1;
	s10 =	sld [smem:$0x3FB8];
	_ =	sdelay $0x3  }
0x34: {  	[smem:$0x3FB8] =	sst s10  }
0x35: {  	s10 =	sld [smem:$0x3FB7];
	_ =	sdelay $0x3  }
0x36: {  	p1 =	seq.s32 s10, $0x1;
	s10 =	sld [smem:$0x3FB8];
	_ =	sdelay $0x3  }
0x37: {  	[smem:$0x3FB8] =	sst s10  }
0x38: {  	s10 =	sld [smem:$0x3FB9]  }
0x39: {  	_ = 	snop;
	(pc) =	sbr.ind lr, $3  }
0x3a: {  	_ = 	snop  }
0x3b: {  	_ = 	snop  }
0x3c: {  	p2 =	seq.s32 s10, $0x1;
	s10 =	sld [smem:$0x3FB8]  }
0x3d: {  	_ =	shalt  }
0x3e: {  	_ =	shalt  }
0x3f: {  	_ =	shalt  }
0x40: {  	_ =	shalt  }
0x41: {  	_ =	shalt  }
0x42: {  	_ =	shalt  }
0x43: {  	_ =	shalt  }
0x44: {  	_ =	shalt  }
0x45: {  	_ =	shalt  }
0x46: {  	_ =	shalt  }
0x47: {  	_ =	shalt  }
0x48: {  	_ =	shalt  }
0x49: {  	_ =	shalt  }
0x4a: {  	_ =	shalt  }
0x4b: {  	_ =	shalt  }
0x4c: {  	_ =	shalt  }
0x4d: {  	_ =	shalt  }
0x4e: {  	_ =	shalt  }
0x4f: {  	_ =	shalt  }
0x50: {  	_ =	shalt  }
0x51: {  	_ =	shalt  }
0x52: {  	_ =	shalt  }
0x53: {  	_ =	shalt  }
0x54: {  	_ =	shalt  }
0x55: {  	_ =	shalt  }
0x56: {  	_ =	shalt  }
0x57: {  	_ =	shalt  }
0x58: {  	_ =	shalt  }
0x59: {  	_ =	shalt  }
0x5a: {  	_ =	shalt  }
0x5b: {  	_ =	shalt  }
0x5c: {  	_ =	shalt  }
0x5d: {  	_ =	shalt  }
0x5e: {  	_ =	shalt  }
0x5f: {  	_ =	shalt  }
0x60: {  	_ =	shalt  }
0x61: {  	_ =	shalt  }
0x62: {  	_ =	shalt  }
0x63: {  	_ =	shalt  }
0x64: {  	_ =	shalt  }
0x65: {  	_ =	shalt  }
0x66: {  	_ =	shalt  }
0x67: {  	_ =	shalt  }
0x68: {  	_ =	shalt  }
0x69: {  	_ =	shalt  }
0x6a: {  	_ =	shalt  }
0x6b: {  	_ =	shalt  }
0x6c: {  	_ =	shalt  }
0x6d: {  	_ =	shalt  }
0x6e: {  	_ =	shalt  }
0x6f: {  	_ =	shalt  }
0x70: {  	_ =	shalt  }
0x71: {  	_ =	shalt  }
0x72: {  	_ =	shalt  }
0x73: {  	_ =	shalt  }
0x74: {  	_ =	shalt  }
0x75: {  	_ =	shalt  }
0x76: {  	_ =	shalt  }
0x77: {  	_ =	shalt  }
0x78: {  	_ =	shalt  }
0x79: {  	_ =	shalt  }
0x7a: {  	_ =	shalt  }
0x7b: {  	_ =	shalt  }
0x7c: {  	_ =	shalt  }
0x7d: {  	_ =	shalt  }
0x7e: {  	_ =	shalt  }
0x7f: {  	_ =	shalt  }
0x80: {  	_ =	shalt  }
0x81: {  	_ =	shalt  }
0x82: {  	_ =	shalt  }
0x83: {  	_ =	shalt  }
0x84: {  	_ =	shalt  }
0x85: {  	_ =	shalt  }
0x86: {  	_ =	shalt  }
0x87: {  	_ =	shalt  }
.Lfunc_end0:
.L_simem_size_0:
called_computation_lowered:
.L_overlay_start_0:
0x88: {  	s2 =	sld [smem:$0x3FD9]  }
0x89: {  	s3 =	sld [smem:$0x3FFE];
	_ =	sdelay $0x1  }
0x8a: {  	s1 =	srdreg.scid  }
0x8b: {  	s0 =	sand.u32 $0x1, s1  }
0x8c: {  	s18 =	sshll.u32 s0, $0xA;
	s2 =	sadd.s32 s3, s2  }
0x8d: {  	s2 =	sadd.s32 s2, s18  }
0x8e: {  	[smem:$0x3FC4] =	sst s2  }
0x8f: {  	_ = 	snop  }
0x90: {  	s2 =	sld [smem:$0x3FC9]  }
0x91: {  	s19 =	sld [smem:$0x3FC8]  }
0x92: {  	s4 =	sld [smem:$0x3FC7]  }
0x93: {  	s5 =	sld [smem:$0x3FC6]  }
0x94: {  	s6 =	sld [smem:$0x3FD0];
	(tm) =	ssettm $0x1  }
0x95: {  	s7 =	sld [smem:$0x3FFB];
	_ =	sdelay $0x3  }
0x96: {  	_ =	strace s7  }
0x97: {  	s7 =	sld [smem:$0x3FFC];
	_ =	sdelay $0x3  }
0x98: {  	_ =	strace s7  }
0x99: {  	s7 =	sld [smem:$0x3FFD];
	_ =	sdelay $0x3  }
0x9a: {  	_ =	strace s7  }
0x9b: {  	_ =	strace $0x8FFFFFFF  }
0x9c: {  	s20 =	sld [smem:$0x3FDB];
	_ =	sdelay $0x1  }
0x9d: {  	s8 =	simm.s32 $_scs_section_size  }
0x9e: {  	s9 =	simm.s32 $_size__tile_overlayer_lowered;
	s10 =	simm.s32 $_tile_overlayer_lowered  }
0x9f: {  	s23 =	simm.s32 $0x1BFF;
	s22 =	sshll.u32 s10, $0x1;
	s7 =	sadd.s32 s8, s20  }
0xa0: {  	s11 =	simm.s32 $0x0;
	s21 =	sshll.u32 s9, $0x1;
	s9 =	sadd.s32 s22, s7  }
0xa1: {  	[timem:s11], [sflag:s23] =	dma.local [hbm:s9], s21  }
0xa2: {  	_ =	swait.ge [sflag:s23], s21  }
0xa3: {  	s8 =	ssub.s32 $0x0, s21;
	[sflag:s23] =	ssyncset.done $0x0  }
0xa4: {  	[sflag:s23] =	ssyncadd.s32 s8;
	_ =	sdelay $0x1  }
0xa5: {  	s24 =	simm.s32 $0x1B8B  }
0xa6: {  	_ =	swait.ge [sflag:s24], $0x1  }
0xa7: {  	[sflag:s24] =	ssyncset.done $0x0  }
0xa8: {  	s25 =	simm.s32 $0x1B8E;
	[sflag:s24] =	ssyncadd.s32 $0xFFFFFFFF  }
0xa9: {  	s26 =	simm.s32 $execute0_lowered;
	[smem:$0x3FD2] =	sst s25  }
0xaa: {  	s8 =	sshll.u32 s26, $0x1;
	_ =	strace $0x80000046;
	[dreg:$0x1] =	wrdreg $0xFFFFFFFF  }
0xab: {  	s28 =	simm.s32 $_size_execute0_lowered;
	s7 =	sadd.s32 s7, s8;
	[dreg:$0x0] =	wrdreg $0x0  }
0xac: {  	s8 =	sshll.u32 s28, $0x1;
	[dreg:$0x2] =	wrdreg s7  }
0xad: {  	[dreg:$0x3] =	wrdreg s8  }
0xae: {  	[dreg:$0x4] =	wrdreg $0xC0  }
0xaf: {  	_ =	task [dreg:s11], $0x5FFFF  }
0xb0: {  	[dreg:$0x1] =	wrdreg $0xFFFFFFFF  }
0xb1: {  	[dreg:$0x0] =	wrdreg $0x60  }
0xb2: {  	[dreg:$0x2] =	wrdreg s2  }
0xb3: {  	[dreg:$0x3] =	wrdreg s19  }
0xb4: {  	[dreg:$0x4] =	wrdreg s4  }
0xb5: {  	[dreg:$0x5] =	wrdreg s5  }
0xb6: {  	[dreg:$0x6] =	wrdreg s6  }
0xb7: {  	[dreg:$0x7] =	wrdreg $0x9  }
0xb8: {  	_ =	task.clear_ibuf [dreg:s11], $0x8FFFF;
	_ =	strace $0x90000046  }
0xb9: {  	s29 =	simm.s32 $0x9;
	_ =	strace $0x80000048  }
0xba: {  	_ =	swait.ge [sflag:s29], $0x1  }
0xbb: {  	[sflag:s29] =	ssyncadd.s32 $0xFFFFFFFF  }
0xbc: {  	_ =	strace $0x90000048  }
0xbd: {  	_ =	sfence  }
0xbe: {  	s30 =	sld [smem:$0x0];
	_ =	sdelay $0x2  }
0xbf: {  	s31 =	sshll.u32 s1, $0xD;
	s1 =	sshrl.u32 s1, $0x2  }
0xc0: {  	s3 =	sand.u32 $0x4000, s31;
	s1 =	sadd.s32 s1, s30  }
0xc1: {  	s0 =	sor.u32 s3, s0;
	s1 =	sshll.u32 s1, $0x11  }
0xc2: {  	s0 =	sor.u32 s1, s0  }
0xc3: {  	s0 =	sadd.s32 $0x8F2B, s0  }
0xc4: {  	[sflag:s0] =	ssyncadd.remote.s32 $0x1  }
0xc5: {  	_ =	sfence.sel $0xFFFF  }
0xc6: {  	[dreg:$0x0] =	wrdreg $0xFFFFFFFF;
	(pc) =	sbr.abs _section_cstart, $3  }
0xc7: {  	[dreg:$0x1] =	wrdreg $0xFFFFFFFF  }
0xc8: {  	_ =	task.clear_ibuf [dreg:s11], $0x2FFFF;
	_ =	strace $0x9FFFFFFF  }
0xc9: {  	(tm) =	ssettm $0x7FFFFFFF  }
tec
execute0_lowered:
.L_overlay_start_1:
0x0: {  	(tag) =	ssettag $0x1  }
0x1: {  	s0 =	rddreg [dreg:$0x0]  }
0x2: {  	s3 =	rddreg [dreg:$0x1]  }
0x3: {  	s1 =	rddreg [dreg:$0x2]  }
0x4: {  	s2 =	rddreg [dreg:$0x3]  }
0x5: {  	s7 =	rddreg [dreg:$0x4];
	s4 =	simm.s32 $0x0  }
0x6: {  	s5 =	srdreg.scid;
	s8 =	stileid.u32;
	s10 =	simm.s32 $0x1  }
0x7: {  	s11 =	simm.s32 $0x4;
	s12 =	simm.s32 $0x80;
	s13 =	simm.s32 $0x400  }
0x8: {  	s14 =	simm.s32 $0xC400;
	s15 =	simm.s32 $0x4400;
	s17 =	simm.s32 $0x10400  }
0x9: {  	s19 =	simm.s32 $0x8400;
	s21 =	simm.s32 $0x14400;
	s23 =	simm.s32 $0x380  }
0xa: {  	s24 =	simm.s32 $0x2;
	s25 =	simm.s32 $0x5;
	s26 =	simm.s32 $0x3  }
0xb: {  	s28 =	simm.s32 $0x6;
	s29 =	simm.s32 $0x18400;
	s30 =	simm.s32 $0x7  }
0xc: {  	s31 =	simm.s32 $0x0;
	[smem:$0x7FF] =	sst s4;
	s5 =	sand.u32 $0x1, s5  }
0xd: {  	v0 =	vlaneseq.u32;
	s8 =	sshll.u32 s8, $0x7;
	s6 =	ssub.s32 $0x2, s5;
	s5 =	sshll.u32 s5, $0x6  }
0xe: {  	v1 =	vmul.u32 $0x80, v0;
	_ =	strace $0x80000047;
	s9 =	sshrl.u32 s6, $0x1;
	s8 =	sor.u32 s5, s8  }
0xf: {  	s9 =	ssub.s32 s6, s9;
	s5 =	sadd.s32 s0, s8;
	s6 =	sadd.s32 s3, s8  }
0x10: {  	v2 =	vor.u32 $0x800, v1;
	s7 =	sadd.s32 s7, s8;
	s8 =	smax.u32 s9, $0x1;
	s9 =	simm.s32 $0x200  }
.LBB2_1:
0x11: {  	[tilespmem:s4], [sflag:$0x1] =	stream.linear.gather [hbm4b:s5+s4], $0x200, $0x38;
	[tilespmem:$0x18600] =	vst v63  }
0x12: {  	_ = 	snop  }
0x13: {  	[tilespmem:s9], [sflag:$0x4] =	stream.linear.gather [hbm4b:s6+s4], $0x200, $0x38;
	[tilespmem:$0x18600] =	vst v63  }
0x14: {  	_ =	swait.ge [sflag:s10], $0x200  }
0x15: {  	[sflag:s10] =	ssyncset.done $0x0  }
0x16: {  	[sflag:s10] =	ssyncadd.s32 $0xFFFFFE00  }
0x17: {  	_ =	swait.ge [sflag:s11], $0x200  }
0x18: {  	[sflag:s11] =	ssyncset.done $0x0  }
0x19: {  	[sflag:s11] =	ssyncadd.s32 $0xFFFFFE00  }
0x1a: {  	[tilespmem:s13], [sflag:$0x1] =	stream.indirect.gather [hbm4b:s1+s12], $0x80, s4, s12, $0xb8;
	[tilespmem:$0x18600] =	vst v63  }
0x1b: {  	_ = 	snop  }
0x1c: {  	[tilespmem:s14], [sflag:$0x4] =	stream.indirect.gather [hbm4b:s2+s12], $0x80, s9, s12, $0xb8;
	[tilespmem:$0x18600] =	vst v63  }
0x1d: {  	_ = 	snop  }
0x1e: {  	[tilespmem:s15], [sflag:$0x2] =	stream.indirect.gather [hbm4b:s1+s12], $0x80, s12, s12, $0xb8;
	[tilespmem:$0x18600] =	vst v63  }
0x1f: {  	s0 =	simm.s32 $0x280  }
0x20: {  	[tilespmem:s17], [sflag:$0x5] =	stream.indirect.gather [hbm4b:s2+s12], $0x80, s0, s12, $0xb8;
	[tilespmem:$0x18600] =	vst v63  }
0x21: {  	s20 =	simm.s32 $0x100  }
0x22: {  	[tilespmem:s19], [sflag:$0x3] =	stream.indirect.gather [hbm4b:s1+s12], $0x80, s20, s12, $0xb8;
	[tilespmem:$0x18600] =	vst v63  }
0x23: {  	s22 =	simm.s32 $0x300  }
0x24: {  	[tilespmem:s21], [sflag:$0x6] =	stream.indirect.gather [hbm4b:s2+s12], $0x80, s22, s12, $0xb8;
	[tilespmem:$0x18600] =	vst v63  }
0x25: {  	_ =	swait.ge [sflag:s10], $0x4000  }
0x26: {  	[sflag:s10] =	ssyncset.done $0x0  }
0x27: {  	[sflag:s10] =	ssyncadd.s32 $0xFFFFC000  }
0x28: {  	_ =	swait.ge [sflag:s11], $0x4000  }
0x29: {  	[sflag:s11] =	ssyncset.done $0x0  }
0x2a: {  	s0 =	simm.s32 $0x0;
	[sflag:s11] =	ssyncadd.s32 $0xFFFFC000  }
.LBB2_2:
0x2b: {  	s3 =	sshll.u32 s0, $0x5  }
0x2c: {  	s16 =	simm.s32 $0x0;
	v3 =	vmov s3  }
0x2d: {  	v5 =	vadd.s32 s16, v0;
	v3 =	vshll.u32 v3, $0x7  }
0x2e: {  	v5 =	vand.u32 $0x7F, v5;
	v4 =	vor.u32 v1, v3  }
0x2f: {  	v6 =	vor.u32 v4, v5  }
0x30: {  	s18 =	simm.s32 $0x2;
	v3 =	vor.u32 v2, v3  }
0x31: {  	v7 =	vadd.s32 s18, v0;
	v5 =	vor.u32 v3, v5  }
0x32: {  	v7 =	vand.u32 $0x7F, v7  }
0x33: {  	v8 =	vor.u32 v4, v7  }
0x34: {  	s20 =	simm.s32 $0x3;
	v9 =	vld.idx.msk [tilespmem:v6+s13+$0x0], $0xffff  }
0x35: {  	v10 =	vadd.s32 s20, v0;
	v7 =	vor.u32 v3, v7;
	v6 =	vld.idx.msk [tilespmem:v6+s14+$0x0], $0xffff  }
0x36: {  	v10 =	vand.u32 $0x7F, v10;
	v12 =	vld.idx.msk [tilespmem:v5+s13+$0x0], $0xffff  }
0x37: {  	s22 =	simm.s32 $0x1;
	v13 =	vor.u32 v4, v10;
	v14 =	vld.idx.msk [tilespmem:v5+s14+$0x0], $0xffff  }
0x38: {  	v11 =	vadd.s32 s22, v0;
	v15 =	vld.idx.msk [tilespmem:v8+s13+$0x0], $0xffff  }
0x39: {  	v10 =	vor.u32 v3, v10;
	v5 =	vand.u32 $0x7F, v11;
	v8 =	vld.idx.msk [tilespmem:v8+s14+$0x0], $0xffff  }
0x3a: {  	v16 =	vld.idx.msk [tilespmem:v7+s13+$0x0], $0xffff;
	v11 =	vor.u32 v4, v5  }
0x3b: {  	v18 =	vld.idx.msk [tilespmem:v7+s14+$0x0], $0xffff  }
0x3c: {  	s18 =	simm.s32 $0x4;
	v20 =	vld.idx.msk [tilespmem:v13+s13+$0x0], $0xffff;
	v5 =	vor.u32 v3, v5  }
0x3d: {  	v7 =	vadd.s32 s18, v0;
	v22 =	vld.idx.msk [tilespmem:v13+s14+$0x0], $0xffff  }
0x3e: {  	v26 =	vld.idx.msk [tilespmem:v10+s13+$0x0], $0xffff;
	v7 =	vand.u32 $0x7F, v7  }
0x3f: {  	v13 =	vor.u32 v4, v7;
	v19 =	vld.idx.msk [tilespmem:v11+s13+$0x0], $0xffff  }
0x40: {  	s20 =	simm.s32 $0x6;
	v21 =	vld.idx.msk [tilespmem:v11+s14+$0x0], $0xffff  }
0x41: {  	v24 =	vor.u32 v3, v7;
	v7 =	vadd.s32 s20, v0;
	v23 =	vld.idx.msk [tilespmem:v5+s13+$0x0], $0xffff  }
0x42: {  	v25 =	vld.idx.msk [tilespmem:v5+s14+$0x0], $0xffff;
	v5 =	vand.u32 $0x7F, v7  }
0x43: {  	v27 =	vimm.f32 $0.0e+00;
	v29 =	vld.idx.msk [tilespmem:v10+s14+$0x0], $0xffff;
	s18 =	simm.s32 $0x5;
	v10 =	vmul.f32 v6, v9;
	v28 =	vor.u32 v4, v5  }
0x44: {  	s22 =	simm.s32 $0x7;
	v30 =	vmul.f32 v14, v12;
	v9 =	vadd.s32 s18, v0;
	v11 =	vor.u32 v3, v5;
	v5 =	vld.idx.msk [tilespmem:v13+s13+$0x0], $0xffff  }
0x45: {  	v16 =	vmul.f32 v18, v16;
	v18 =	vmul.f32 v22, v20;
	v7 =	vadd.s32 s22, v0;
	v6 =	vld.idx.msk [tilespmem:v13+s14+$0x0], $0xffff  }
0x46: {  	v17 =	vand.u32 $0x7F, v9;
	v12 =	vand.u32 $0x7F, v7;
	v13 =	vmul.f32 v8, v15;
	v7 =	vld.idx.msk [tilespmem:v24+s13+$0x0], $0xffff  }
0x47: {  	v8 =	vld.idx.msk [tilespmem:v24+s14+$0x0], $0xffff;
	v15 =	vor.u32 v4, v12;
	v63 =	vmul.f32 v21, v19;
	v23 =	vmul.f32 v25, v23  }
0x48: {  	v14 =	vor.u32 v4, v17;
	v21 =	vadd.f32 v10, v27;
	v19 =	vadd.f32 v30, v27;
	v9 =	vld.idx.msk [tilespmem:v28+s13+$0x0], $0xffff  }
0x49: {  	s16 =	simm.s32 $0x8;
	v10 =	vld.idx.msk [tilespmem:v28+s14+$0x0], $0xffff;
	v22 =	vadd.f32 v63, v27;
	v20 =	vadd.f32 v23, v27;
	v23 =	vmul.f32 v29, v26  }
.LBB2_3:
0x4a: {  	p0 =	sne.s32 s16, $0x7C;
	v24 =	vld.idx.msk [tilespmem:v11+s13+$0x0], $0xffff;
	v21 =	vadd.f32 v13, v21;
	v19 =	vadd.f32 v16, v19  }
0x4b: {  	v13 =	vor.u32 v3, v17;
	v16 =	vld.idx.msk [tilespmem:v11+s14+$0x0], $0xffff;
	v22 =	vadd.f32 v18, v22;
	v20 =	vadd.f32 v23, v20  }
0x4c: {  	v18 =	vld.idx.msk [tilespmem:v15+s13+$0x0], $0xffff  }
0x4d: {  	v12 =	vor.u32 v3, v12;
	v11 =	vadd.s32 s16, v0;
	v23 =	vld.idx.msk [tilespmem:v15+s14+$0x0], $0xffff  }
0x4e: {  	v11 =	vand.u32 $0x7F, v11;
	v25 =	vld.idx.msk [tilespmem:v14+s13+$0x0], $0xffff  }
0x4f: {  	v15 =	vor.u32 v4, v11;
	v26 =	vld.idx.msk [tilespmem:v14+s14+$0x0], $0xffff  }
0x50: {  	s18 =	sadd.s32 $0x2, s16;
	v27 =	vld.idx.msk [tilespmem:v13+s13+$0x0], $0xffff  }
0x51: {  	v14 =	vor.u32 v3, v11;
	v11 =	vadd.s32 s18, v0;
	v28 =	vld.idx.msk [tilespmem:v13+s14+$0x0], $0xffff  }
0x52: {  	v11 =	vand.u32 $0x7F, v11;
	v29 =	vld.idx.msk [tilespmem:v12+s13+$0x0], $0xffff  }
0x53: {  	s18 =	sadd.s32 $0x3, s16;
	v30 =	vor.u32 v4, v11;
	v11 =	vor.u32 v3, v11;
	v31 =	vld.idx.msk [tilespmem:v12+s14+$0x0], $0xffff  }
0x54: {  	s20 =	sadd.s32 $0x1, s16;
	v32 =	vmul.f32 v6, v5;
	v33 =	vmul.f32 v8, v7;
	v12 =	vadd.s32 s18, v0;
	v5 =	vld.idx.msk [tilespmem:v15+s13+$0x0], $0xffff  }
.Ltmp0:
0x55: {  	v8 =	vadd.s32 s20, v0;
	v13 =	vmul.f32 v10, v9;
	v12 =	vand.u32 $0x7F, v12;
	v6 =	vld.idx.msk [tilespmem:v15+s14+$0x0], $0xffff;
	(pc) =	sbr.rel @p0 .LBB2_3-.Ltmp0, $4  }
0x56: {  	v17 =	vand.u32 $0x7F, v8;
	v16 =	vmul.f32 v16, v24;
	v15 =	vor.u32 v4, v12;
	v7 =	vld.idx.msk [tilespmem:v14+s13+$0x0], $0xffff  }
0x57: {  	v24 =	vmul.f32 v26, v25;
	v25 =	vmul.f32 v28, v27;
	v8 =	vld.idx.msk [tilespmem:v14+s14+$0x0], $0xffff;
	v14 =	vor.u32 v4, v17  }
0x58: {  	v21 =	vadd.f32 v32, v21;
	v19 =	vadd.f32 v33, v19;
	v18 =	vmul.f32 v23, v18;
	v9 =	vld.idx.msk [tilespmem:v30+s13+$0x0], $0xffff  }
0x59: {  	s16 =	sadd.s32 $0x4, s16;
	v22 =	vadd.f32 v24, v22;
	v20 =	vadd.f32 v25, v20;
	v23 =	vmul.f32 v31, v29;
	v10 =	vld.idx.msk [tilespmem:v30+s14+$0x0], $0xffff  }
0x5a: {  	_ =	sdelay $0x3  }
0x5b: {  	v4 =	vld.idx.msk [tilespmem:v11+s13+$0x0], $0xffff  }
0x5c: {  	v17 =	vor.u32 v3, v17;
	v51 =	vld.idx.msk [tilespmem:v11+s14+$0x0], $0xffff  }
0x5d: {  	v24 =	vld.idx.msk [tilespmem:v15+s13+$0x0], $0xffff  }
0x5e: {  	v52 =	vld.idx.msk [tilespmem:v15+s14+$0x0], $0xffff;
	v3 =	vor.u32 v3, v12  }
0x5f: {  	v53 =	vld.idx.msk [tilespmem:v14+s13+$0x0], $0xffff  }
0x60: {  	v54 =	vld.idx.msk [tilespmem:v14+s14+$0x0], $0xffff  }
0x61: {  	v25 =	vld.idx.msk [tilespmem:v17+s13+$0x0], $0xffff  }
0x62: {  	v17 =	vld.idx.msk [tilespmem:v17+s14+$0x0], $0xffff  }
0x63: {  	v26 =	vld.idx.msk [tilespmem:v3+s13+$0x0], $0xffff  }
0x64: {  	v13 =	vadd.f32 v13, v21;
	v3 =	vld.idx.msk [tilespmem:v3+s14+$0x0], $0xffff  }
0x65: {  	v16 =	vadd.f32 v16, v19;
	v5 =	vmul.f32 v6, v5;
	v56 =	vadd.f32 v18, v22  }
0x66: {  	v59 =	vadd.f32 v23, v20;
	v55 =	vmul.f32 v8, v7;
	v58 =	vmul.f32 v54, v53  }
0x67: {  	v5 =	vadd.f32 v5, v13;
	v57 =	vmul.f32 v10, v9;
	v60 =	vmul.f32 v17, v25  }
0x68: {  	v6 =	vadd.f32 v55, v16;
	v61 =	vmul.f32 v52, v24;
	v7 =	vadd.f32 v58, v56  }
0x69: {  	v4 =	vmul.f32 v51, v4;
	v3 =	vmul.f32 v3, v26;
	v62 =	vadd.f32 v60, v59  }
0x6a: {  	v5 =	vadd.f32 v57, v5;
	v7 =	vadd.f32 v61, v7  }
0x6b: {  	s0 =	sadd.s32 $0x1, s0;
	v4 =	vadd.f32 v4, v6;
	v3 =	vadd.f32 v3, v62  }
0x6c: {  	p0 =	sne.s32 s0, $0x4;
	v5 =	vadd.f32 v7, v5  }
.Ltmp1:
0x6d: {  	v3 =	vadd.f32 v3, v4;
	(pc) =	sbr.rel @p0 .LBB2_2-.Ltmp1, $4  }
0x6e: {  	v63 =	vmul.f32 $7.812500000e-03, v5  }
0x6f: {  	v3 =	vmul.f32 $7.812500000e-03, v3  }
0x70: {  	[tilespmem:s3+$0x18400] =	vst v63  }
0x71: {  	[tilespmem:s3+$0x18410] =	vst v3  }
0x72: {  	s0 =	simm.s32 $0x180  }
0x73: {  	[tilespmem:s13], [sflag:$0x1] =	stream.indirect.gather [hbm4b:s1+s12], $0x80, s0, s12, $0xb8;
	[tilespmem:$0x18600] =	vst v63  }
0x74: {  	_ = 	snop  }
0x75: {  	[tilespmem:s14], [sflag:$0x4] =	stream.indirect.gather [hbm4b:s2+s12], $0x80, s23, s12, $0xb8;
	[tilespmem:$0x18600] =	vst v63  }
0x76: {  	_ =	swait.ge [sflag:s24], $0x4000  }
0x77: {  	[sflag:s24] =	ssyncset.done $0x0  }
0x78: {  	[sflag:s24] =	ssyncadd.s32 $0xFFFFC000  }
0x79: {  	_ =	swait.ge [sflag:s25], $0x4000  }
0x7a: {  	[sflag:s25] =	ssyncset.done $0x0  }
0x7b: {  	s3 =	simm.s32 $0x0;
	s0 =	simm.s32 $0x0;
	[sflag:s25] =	ssyncadd.s32 $0xFFFFC000  }
.LBB2_6:
0x7c: {  	s16 =	sshll.u32 s3, $0x5  }
0x7d: {  	v3 =	vmov s16  }
0x7e: {  	v5 =	vadd.s32 s0, v0;
	v3 =	vshll.u32 v3, $0x7  }
0x7f: {  	v5 =	vand.u32 $0x7F, v5;
	v4 =	vor.u32 v1, v3  }
0x80: {  	v6 =	vor.u32 v4, v5  }
0x81: {  	s18 =	simm.s32 $0x2;
	v3 =	vor.u32 v2, v3  }
0x82: {  	v7 =	vadd.s32 s18, v0;
	v5 =	vor.u32 v3, v5  }
0x83: {  	v7 =	vand.u32 $0x7F, v7  }
0x84: {  	v8 =	vor.u32 v4, v7  }
0x85: {  	s22 =	simm.s32 $0x3;
	v9 =	vld.idx.msk [tilespmem:v6+s15+$0x0], $0xffff  }
0x86: {  	v10 =	vadd.s32 s22, v0;
	v7 =	vor.u32 v3, v7;
	v6 =	vld.idx.msk [tilespmem:v6+s17+$0x0], $0xffff  }
0x87: {  	v10 =	vand.u32 $0x7F, v10;
	v12 =	vld.idx.msk [tilespmem:v5+s15+$0x0], $0xffff  }
0x88: {  	s20 =	simm.s32 $0x1;
	v13 =	vor.u32 v4, v10;
	v14 =	vld.idx.msk [tilespmem:v5+s17+$0x0], $0xffff  }
0x89: {  	v11 =	vadd.s32 s20, v0;
	v15 =	vld.idx.msk [tilespmem:v8+s15+$0x0], $0xffff  }
0x8a: {  	v10 =	vor.u32 v3, v10;
	v5 =	vand.u32 $0x7F, v11;
	v8 =	vld.idx.msk [tilespmem:v8+s17+$0x0], $0xffff  }
0x8b: {  	v16 =	vld.idx.msk [tilespmem:v7+s15+$0x0], $0xffff;
	v11 =	vor.u32 v4, v5  }
0x8c: {  	v18 =	vld.idx.msk [tilespmem:v7+s17+$0x0], $0xffff  }
0x8d: {  	s22 =	simm.s32 $0x4;
	v20 =	vld.idx.msk [tilespmem:v13+s15+$0x0], $0xffff;
	v5 =	vor.u32 v3, v5  }
0x8e: {  	v7 =	vadd.s32 s22, v0;
	v22 =	vld.idx.msk [tilespmem:v13+s17+$0x0], $0xffff  }
0x8f: {  	v26 =	vld.idx.msk [tilespmem:v10+s15+$0x0], $0xffff;
	v7 =	vand.u32 $0x7F, v7  }
0x90: {  	v13 =	vor.u32 v4, v7;
	v19 =	vld.idx.msk [tilespmem:v11+s15+$0x0], $0xffff  }
0x91: {  	s20 =	simm.s32 $0x6;
	v21 =	vld.idx.msk [tilespmem:v11+s17+$0x0], $0xffff  }
0x92: {  	v24 =	vor.u32 v3, v7;
	v7 =	vadd.s32 s20, v0;
	v23 =	vld.idx.msk [tilespmem:v5+s15+$0x0], $0xffff  }
0x93: {  	v25 =	vld.idx.msk [tilespmem:v5+s17+$0x0], $0xffff;
	v5 =	vand.u32 $0x7F, v7  }
0x94: {  	v27 =	vimm.f32 $0.0e+00;
	v29 =	vld.idx.msk [tilespmem:v10+s17+$0x0], $0xffff;
	s20 =	simm.s32 $0x5;
	v10 =	vmul.f32 v6, v9;
	v28 =	vor.u32 v4, v5  }
0x95: {  	s22 =	simm.s32 $0x7;
	v30 =	vmul.f32 v14, v12;
	v9 =	vadd.s32 s20, v0;
	v11 =	vor.u32 v3, v5;
	v5 =	vld.idx.msk [tilespmem:v13+s15+$0x0], $0xffff  }
0x96: {  	v16 =	vmul.f32 v18, v16;
	v18 =	vmul.f32 v22, v20;
	v7 =	vadd.s32 s22, v0;
	v6 =	vld.idx.msk [tilespmem:v13+s17+$0x0], $0xffff  }
0x97: {  	v17 =	vand.u32 $0x7F, v9;
	v12 =	vand.u32 $0x7F, v7;
	v13 =	vmul.f32 v8, v15;
	v7 =	vld.idx.msk [tilespmem:v24+s15+$0x0], $0xffff  }
0x98: {  	v8 =	vld.idx.msk [tilespmem:v24+s17+$0x0], $0xffff;
	v15 =	vor.u32 v4, v12;
	v63 =	vmul.f32 v21, v19;
	v23 =	vmul.f32 v25, v23  }
0x99: {  	v14 =	vor.u32 v4, v17;
	v21 =	vadd.f32 v10, v27;
	v19 =	vadd.f32 v30, v27;
	v9 =	vld.idx.msk [tilespmem:v28+s15+$0x0], $0xffff  }
0x9a: {  	s18 =	simm.s32 $0x8;
	v10 =	vld.idx.msk [tilespmem:v28+s17+$0x0], $0xffff;
	v22 =	vadd.f32 v63, v27;
	v20 =	vadd.f32 v23, v27;
	v23 =	vmul.f32 v29, v26  }
.LBB2_7:
0x9b: {  	p0 =	sne.s32 s18, $0x7C;
	v24 =	vld.idx.msk [tilespmem:v11+s15+$0x0], $0xffff;
	v21 =	vadd.f32 v13, v21;
	v19 =	vadd.f32 v16, v19  }
0x9c: {  	v13 =	vor.u32 v3, v17;
	v16 =	vld.idx.msk [tilespmem:v11+s17+$0x0], $0xffff;
	v22 =	vadd.f32 v18, v22;
	v20 =	vadd.f32 v23, v20  }
0x9d: {  	v18 =	vld.idx.msk [tilespmem:v15+s15+$0x0], $0xffff  }
0x9e: {  	v12 =	vor.u32 v3, v12;
	v11 =	vadd.s32 s18, v0;
	v23 =	vld.idx.msk [tilespmem:v15+s17+$0x0], $0xffff  }
0x9f: {  	v11 =	vand.u32 $0x7F, v11;
	v25 =	vld.idx.msk [tilespmem:v14+s15+$0x0], $0xffff  }
0xa0: {  	v15 =	vor.u32 v4, v11;
	v26 =	vld.idx.msk [tilespmem:v14+s17+$0x0], $0xffff  }
0xa1: {  	s20 =	sadd.s32 $0x2, s18;
	v27 =	vld.idx.msk [tilespmem:v13+s15+$0x0], $0xffff  }
0xa2: {  	v14 =	vor.u32 v3, v11;
	v11 =	vadd.s32 s20, v0;
	v28 =	vld.idx.msk [tilespmem:v13+s17+$0x0], $0xffff  }
0xa3: {  	v11 =	vand.u32 $0x7F, v11;
	v29 =	vld.idx.msk [tilespmem:v12+s15+$0x0], $0xffff  }
0xa4: {  	s20 =	sadd.s32 $0x3, s18;
	v30 =	vor.u32 v4, v11;
	v11 =	vor.u32 v3, v11;
	v31 =	vld.idx.msk [tilespmem:v12+s17+$0x0], $0xffff  }
0xa5: {  	s22 =	sadd.s32 $0x1, s18;
	v32 =	vmul.f32 v6, v5;
	v33 =	vmul.f32 v8, v7;
	v12 =	vadd.s32 s20, v0;
	v5 =	vld.idx.msk [tilespmem:v15+s15+$0x0], $0xffff  }
.Ltmp2:
0xa6: {  	v8 =	vadd.s32 s22, v0;
	v13 =	vmul.f32 v10, v9;
	v12 =	vand.u32 $0x7F, v12;
	v6 =	vld.idx.msk [tilespmem:v15+s17+$0x0], $0xffff;
	(pc) =	sbr.rel @p0 .LBB2_7-.Ltmp2, $4  }
0xa7: {  	v17 =	vand.u32 $0x7F, v8;
	v16 =	vmul.f32 v16, v24;
	v15 =	vor.u32 v4, v12;
	v7 =	vld.idx.msk [tilespmem:v14+s15+$0x0], $0xffff  }
0xa8: {  	v24 =	vmul.f32 v26, v25;
	v25 =	vmul.f32 v28, v27;
	v8 =	vld.idx.msk [tilespmem:v14+s17+$0x0], $0xffff;
	v14 =	vor.u32 v4, v17  }
0xa9: {  	v21 =	vadd.f32 v32, v21;
	v19 =	vadd.f32 v33, v19;
	v18 =	vmul.f32 v23, v18;
	v9 =	vld.idx.msk [tilespmem:v30+s15+$0x0], $0xffff  }
0xaa: {  	s18 =	sadd.s32 $0x4, s18;
	v22 =	vadd.f32 v24, v22;
	v20 =	vadd.f32 v25, v20;
	v23 =	vmul.f32 v31, v29;
	v10 =	vld.idx.msk [tilespmem:v30+s17+$0x0], $0xffff  }
0xab: {  	_ =	sdelay $0x3  }
0xac: {  	v4 =	vld.idx.msk [tilespmem:v11+s15+$0x0], $0xffff  }
0xad: {  	v17 =	vor.u32 v3, v17;
	v51 =	vld.idx.msk [tilespmem:v11+s17+$0x0], $0xffff  }
0xae: {  	v24 =	vld.idx.msk [tilespmem:v15+s15+$0x0], $0xffff  }
0xaf: {  	v52 =	vld.idx.msk [tilespmem:v15+s17+$0x0], $0xffff;
	v3 =	vor.u32 v3, v12  }
0xb0: {  	v53 =	vld.idx.msk [tilespmem:v14+s15+$0x0], $0xffff  }
0xb1: {  	v54 =	vld.idx.msk [tilespmem:v14+s17+$0x0], $0xffff  }
0xb2: {  	v25 =	vld.idx.msk [tilespmem:v17+s15+$0x0], $0xffff  }
0xb3: {  	v17 =	vld.idx.msk [tilespmem:v17+s17+$0x0], $0xffff  }
0xb4: {  	v26 =	vld.idx.msk [tilespmem:v3+s15+$0x0], $0xffff  }
0xb5: {  	v13 =	vadd.f32 v13, v21;
	v3 =	vld.idx.msk [tilespmem:v3+s17+$0x0], $0xffff  }
0xb6: {  	v16 =	vadd.f32 v16, v19;
	v5 =	vmul.f32 v6, v5;
	v56 =	vadd.f32 v18, v22  }
0xb7: {  	v59 =	vadd.f32 v23, v20;
	v55 =	vmul.f32 v8, v7;
	v58 =	vmul.f32 v54, v53  }
0xb8: {  	v5 =	vadd.f32 v5, v13;
	v57 =	vmul.f32 v10, v9;
	v60 =	vmul.f32 v17, v25  }
0xb9: {  	v6 =	vadd.f32 v55, v16;
	v61 =	vmul.f32 v52, v24;
	v7 =	vadd.f32 v58, v56  }
0xba: {  	v4 =	vmul.f32 v51, v4;
	v3 =	vmul.f32 v3, v26;
	v62 =	vadd.f32 v60, v59  }
0xbb: {  	v5 =	vadd.f32 v57, v5;
	v7 =	vadd.f32 v61, v7  }
0xbc: {  	s3 =	sadd.s32 $0x1, s3;
	v4 =	vadd.f32 v4, v6;
	v3 =	vadd.f32 v3, v62  }
0xbd: {  	p0 =	sne.s32 s3, $0x4;
	v5 =	vadd.f32 v7, v5  }
.Ltmp3:
0xbe: {  	v3 =	vadd.f32 v3, v4;
	(pc) =	sbr.rel @p0 .LBB2_6-.Ltmp3, $4  }
0xbf: {  	v63 =	vmul.f32 $7.812500000e-03, v5  }
0xc0: {  	v3 =	vmul.f32 $7.812500000e-03, v3  }
0xc1: {  	[tilespmem:s16+$0x18480] =	vst v63  }
0xc2: {  	[tilespmem:s16+$0x18490] =	vst v3  }
0xc3: {  	_ =	swait.ge [sflag:s26], $0x4000  }
0xc4: {  	[sflag:s26] =	ssyncset.done $0x0  }
0xc5: {  	[sflag:s26] =	ssyncadd.s32 $0xFFFFC000  }
0xc6: {  	_ =	swait.ge [sflag:s28], $0x4000  }
0xc7: {  	[sflag:s28] =	ssyncset.done $0x0  }
0xc8: {  	s0 =	simm.s32 $0x0;
	s3 =	simm.s32 $0x0;
	[sflag:s28] =	ssyncadd.s32 $0xFFFFC000  }
.LBB2_10:
0xc9: {  	s16 =	sshll.u32 s3, $0x5  }
0xca: {  	v3 =	vmov s16  }
0xcb: {  	v5 =	vadd.s32 s0, v0;
	v3 =	vshll.u32 v3, $0x7  }
0xcc: {  	v5 =	vand.u32 $0x7F, v5;
	v4 =	vor.u32 v1, v3  }
0xcd: {  	v6 =	vor.u32 v4, v5  }
0xce: {  	s18 =	simm.s32 $0x2;
	v3 =	vor.u32 v2, v3  }
0xcf: {  	v7 =	vadd.s32 s18, v0;
	v5 =	vor.u32 v3, v5  }
0xd0: {  	v7 =	vand.u32 $0x7F, v7  }
0xd1: {  	v8 =	vor.u32 v4, v7  }
0xd2: {  	s22 =	simm.s32 $0x3;
	v9 =	vld.idx.msk [tilespmem:v6+s19+$0x0], $0xffff  }
0xd3: {  	v10 =	vadd.s32 s22, v0;
	v7 =	vor.u32 v3, v7;
	v6 =	vld.idx.msk [tilespmem:v6+s21+$0x0], $0xffff  }
0xd4: {  	v10 =	vand.u32 $0x7F, v10;
	v12 =	vld.idx.msk [tilespmem:v5+s19+$0x0], $0xffff  }
0xd5: {  	s20 =	simm.s32 $0x1;
	v13 =	vor.u32 v4, v10;
	v14 =	vld.idx.msk [tilespmem:v5+s21+$0x0], $0xffff  }
0xd6: {  	v11 =	vadd.s32 s20, v0;
	v15 =	vld.idx.msk [tilespmem:v8+s19+$0x0], $0xffff  }
0xd7: {  	v10 =	vor.u32 v3, v10;
	v5 =	vand.u32 $0x7F, v11;
	v8 =	vld.idx.msk [tilespmem:v8+s21+$0x0], $0xffff  }
0xd8: {  	v16 =	vld.idx.msk [tilespmem:v7+s19+$0x0], $0xffff;
	v11 =	vor.u32 v4, v5  }
0xd9: {  	v18 =	vld.idx.msk [tilespmem:v7+s21+$0x0], $0xffff  }
0xda: {  	s22 =	simm.s32 $0x4;
	v20 =	vld.idx.msk [tilespmem:v13+s19+$0x0], $0xffff;
	v5 =	vor.u32 v3, v5  }
0xdb: {  	v7 =	vadd.s32 s22, v0;
	v22 =	vld.idx.msk [tilespmem:v13+s21+$0x0], $0xffff  }
0xdc: {  	v26 =	vld.idx.msk [tilespmem:v10+s19+$0x0], $0xffff;
	v7 =	vand.u32 $0x7F, v7  }
0xdd: {  	v13 =	vor.u32 v4, v7;
	v19 =	vld.idx.msk [tilespmem:v11+s19+$0x0], $0xffff  }
0xde: {  	s20 =	simm.s32 $0x6;
	v21 =	vld.idx.msk [tilespmem:v11+s21+$0x0], $0xffff  }
0xdf: {  	v24 =	vor.u32 v3, v7;
	v7 =	vadd.s32 s20, v0;
	v23 =	vld.idx.msk [tilespmem:v5+s19+$0x0], $0xffff  }
0xe0: {  	v25 =	vld.idx.msk [tilespmem:v5+s21+$0x0], $0xffff;
	v5 =	vand.u32 $0x7F, v7  }
0xe1: {  	v27 =	vimm.f32 $0.0e+00;
	v29 =	vld.idx.msk [tilespmem:v10+s21+$0x0], $0xffff;
	s20 =	simm.s32 $0x5;
	v10 =	vmul.f32 v6, v9;
	v28 =	vor.u32 v4, v5  }
0xe2: {  	s22 =	simm.s32 $0x7;
	v30 =	vmul.f32 v14, v12;
	v9 =	vadd.s32 s20, v0;
	v11 =	vor.u32 v3, v5;
	v5 =	vld.idx.msk [tilespmem:v13+s19+$0x0], $0xffff  }
0xe3: {  	v16 =	vmul.f32 v18, v16;
	v18 =	vmul.f32 v22, v20;
	v7 =	vadd.s32 s22, v0;
	v6 =	vld.idx.msk [tilespmem:v13+s21+$0x0], $0xffff  }
0xe4: {  	v17 =	vand.u32 $0x7F, v9;
	v12 =	vand.u32 $0x7F, v7;
	v13 =	vmul.f32 v8, v15;
	v7 =	vld.idx.msk [tilespmem:v24+s19+$0x0], $0xffff  }
0xe5: {  	v8 =	vld.idx.msk [tilespmem:v24+s21+$0x0], $0xffff;
	v15 =	vor.u32 v4, v12;
	v63 =	vmul.f32 v21, v19;
	v23 =	vmul.f32 v25, v23  }
0xe6: {  	v14 =	vor.u32 v4, v17;
	v21 =	vadd.f32 v10, v27;
	v19 =	vadd.f32 v30, v27;
	v9 =	vld.idx.msk [tilespmem:v28+s19+$0x0], $0xffff  }
0xe7: {  	s18 =	simm.s32 $0x8;
	v10 =	vld.idx.msk [tilespmem:v28+s21+$0x0], $0xffff;
	v22 =	vadd.f32 v63, v27;
	v20 =	vadd.f32 v23, v27;
	v23 =	vmul.f32 v29, v26  }
.LBB2_11:
0xe8: {  	p0 =	sne.s32 s18, $0x7C;
	v24 =	vld.idx.msk [tilespmem:v11+s19+$0x0], $0xffff;
	v21 =	vadd.f32 v13, v21;
	v19 =	vadd.f32 v16, v19  }
0xe9: {  	v13 =	vor.u32 v3, v17;
	v16 =	vld.idx.msk [tilespmem:v11+s21+$0x0], $0xffff;
	v22 =	vadd.f32 v18, v22;
	v20 =	vadd.f32 v23, v20  }
0xea: {  	v18 =	vld.idx.msk [tilespmem:v15+s19+$0x0], $0xffff  }
0xeb: {  	v12 =	vor.u32 v3, v12;
	v11 =	vadd.s32 s18, v0;
	v23 =	vld.idx.msk [tilespmem:v15+s21+$0x0], $0xffff  }
0xec: {  	v11 =	vand.u32 $0x7F, v11;
	v25 =	vld.idx.msk [tilespmem:v14+s19+$0x0], $0xffff  }
0xed: {  	v15 =	vor.u32 v4, v11;
	v26 =	vld.idx.msk [tilespmem:v14+s21+$0x0], $0xffff  }
0xee: {  	s20 =	sadd.s32 $0x2, s18;
	v27 =	vld.idx.msk [tilespmem:v13+s19+$0x0], $0xffff  }
0xef: {  	v14 =	vor.u32 v3, v11;
	v11 =	vadd.s32 s20, v0;
	v28 =	vld.idx.msk [tilespmem:v13+s21+$0x0], $0xffff  }
0xf0: {  	v11 =	vand.u32 $0x7F, v11;
	v29 =	vld.idx.msk [tilespmem:v12+s19+$0x0], $0xffff  }
0xf1: {  	s20 =	sadd.s32 $0x3, s18;
	v30 =	vor.u32 v4, v11;
	v11 =	vor.u32 v3, v11;
	v31 =	vld.idx.msk [tilespmem:v12+s21+$0x0], $0xffff  }
0xf2: {  	s22 =	sadd.s32 $0x1, s18;
	v32 =	vmul.f32 v6, v5;
	v33 =	vmul.f32 v8, v7;
	v12 =	vadd.s32 s20, v0;
	v5 =	vld.idx.msk [tilespmem:v15+s19+$0x0], $0xffff  }
.Ltmp4:
0xf3: {  	v8 =	vadd.s32 s22, v0;
	v13 =	vmul.f32 v10, v9;
	v12 =	vand.u32 $0x7F, v12;
	v6 =	vld.idx.msk [tilespmem:v15+s21+$0x0], $0xffff;
	(pc) =	sbr.rel @p0 .LBB2_11-.Ltmp4, $4  }
0xf4: {  	v17 =	vand.u32 $0x7F, v8;
	v16 =	vmul.f32 v16, v24;
	v15 =	vor.u32 v4, v12;
	v7 =	vld.idx.msk [tilespmem:v14+s19+$0x0], $0xffff  }
0xf5: {  	v24 =	vmul.f32 v26, v25;
	v25 =	vmul.f32 v28, v27;
	v8 =	vld.idx.msk [tilespmem:v14+s21+$0x0], $0xffff;
	v14 =	vor.u32 v4, v17  }
0xf6: {  	v21 =	vadd.f32 v32, v21;
	v19 =	vadd.f32 v33, v19;
	v18 =	vmul.f32 v23, v18;
	v9 =	vld.idx.msk [tilespmem:v30+s19+$0x0], $0xffff  }
0xf7: {  	s18 =	sadd.s32 $0x4, s18;
	v22 =	vadd.f32 v24, v22;
	v20 =	vadd.f32 v25, v20;
	v23 =	vmul.f32 v31, v29;
	v10 =	vld.idx.msk [tilespmem:v30+s21+$0x0], $0xffff  }
0xf8: {  	_ =	sdelay $0x3  }
0xf9: {  	v4 =	vld.idx.msk [tilespmem:v11+s19+$0x0], $0xffff  }
0xfa: {  	v17 =	vor.u32 v3, v17;
	v51 =	vld.idx.msk [tilespmem:v11+s21+$0x0], $0xffff  }
0xfb: {  	v24 =	vld.idx.msk [tilespmem:v15+s19+$0x0], $0xffff  }
0xfc: {  	v52 =	vld.idx.msk [tilespmem:v15+s21+$0x0], $0xffff;
	v3 =	vor.u32 v3, v12  }
0xfd: {  	v53 =	vld.idx.msk [tilespmem:v14+s19+$0x0], $0xffff  }
0xfe: {  	v54 =	vld.idx.msk [tilespmem:v14+s21+$0x0], $0xffff  }
0xff: {  	v25 =	vld.idx.msk [tilespmem:v17+s19+$0x0], $0xffff  }
0x100: {  	v17 =	vld.idx.msk [tilespmem:v17+s21+$0x0], $0xffff  }
0x101: {  	v26 =	vld.idx.msk [tilespmem:v3+s19+$0x0], $0xffff  }
0x102: {  	v13 =	vadd.f32 v13, v21;
	v3 =	vld.idx.msk [tilespmem:v3+s21+$0x0], $0xffff  }
0x103: {  	v16 =	vadd.f32 v16, v19;
	v5 =	vmul.f32 v6, v5;
	v56 =	vadd.f32 v18, v22  }
0x104: {  	v59 =	vadd.f32 v23, v20;
	v55 =	vmul.f32 v8, v7;
	v58 =	vmul.f32 v54, v53  }
0x105: {  	v5 =	vadd.f32 v5, v13;
	v57 =	vmul.f32 v10, v9;
	v60 =	vmul.f32 v17, v25  }
0x106: {  	v6 =	vadd.f32 v55, v16;
	v61 =	vmul.f32 v52, v24;
	v7 =	vadd.f32 v58, v56  }
0x107: {  	v4 =	vmul.f32 v51, v4;
	v3 =	vmul.f32 v3, v26;
	v62 =	vadd.f32 v60, v59  }
0x108: {  	v5 =	vadd.f32 v57, v5;
	v7 =	vadd.f32 v61, v7  }
0x109: {  	s3 =	sadd.s32 $0x1, s3;
	v4 =	vadd.f32 v4, v6;
	v3 =	vadd.f32 v3, v62  }
0x10a: {  	p0 =	sne.s32 s3, $0x4;
	v5 =	vadd.f32 v7, v5  }
.Ltmp5:
0x10b: {  	v3 =	vadd.f32 v3, v4;
	(pc) =	sbr.rel @p0 .LBB2_10-.Ltmp5, $4  }
0x10c: {  	v63 =	vmul.f32 $7.812500000e-03, v5  }
0x10d: {  	v3 =	vmul.f32 $7.812500000e-03, v3  }
0x10e: {  	[tilespmem:s16+$0x18500] =	vst v63  }
0x10f: {  	[tilespmem:s16+$0x18510] =	vst v3  }
0x110: {  	_ =	swait.ge [sflag:s10], $0x4000  }
0x111: {  	[sflag:s10] =	ssyncset.done $0x0  }
0x112: {  	[sflag:s10] =	ssyncadd.s32 $0xFFFFC000  }
0x113: {  	_ =	swait.ge [sflag:s11], $0x4000  }
0x114: {  	[sflag:s11] =	ssyncset.done $0x0  }
0x115: {  	s0 =	simm.s32 $0x0;
	s3 =	simm.s32 $0x0;
	[sflag:s11] =	ssyncadd.s32 $0xFFFFC000  }
.LBB2_14:
0x116: {  	s16 =	sshll.u32 s3, $0x5  }
0x117: {  	v3 =	vmov s16  }
0x118: {  	v5 =	vadd.s32 s0, v0;
	v3 =	vshll.u32 v3, $0x7  }
0x119: {  	v5 =	vand.u32 $0x7F, v5;
	v4 =	vor.u32 v1, v3  }
0x11a: {  	v6 =	vor.u32 v4, v5  }
0x11b: {  	s18 =	simm.s32 $0x2;
	v3 =	vor.u32 v2, v3  }
0x11c: {  	v7 =	vadd.s32 s18, v0;
	v5 =	vor.u32 v3, v5  }
0x11d: {  	v7 =	vand.u32 $0x7F, v7  }
0x11e: {  	v8 =	vor.u32 v4, v7  }
0x11f: {  	s22 =	simm.s32 $0x3;
	v9 =	vld.idx.msk [tilespmem:v6+s13+$0x0], $0xffff  }
0x120: {  	v10 =	vadd.s32 s22, v0;
	v7 =	vor.u32 v3, v7;
	v6 =	vld.idx.msk [tilespmem:v6+s14+$0x0], $0xffff  }
0x121: {  	v10 =	vand.u32 $0x7F, v10;
	v12 =	vld.idx.msk [tilespmem:v5+s13+$0x0], $0xffff  }
0x122: {  	s20 =	simm.s32 $0x1;
	v13 =	vor.u32 v4, v10;
	v14 =	vld.idx.msk [tilespmem:v5+s14+$0x0], $0xffff  }
0x123: {  	v11 =	vadd.s32 s20, v0;
	v15 =	vld.idx.msk [tilespmem:v8+s13+$0x0], $0xffff  }
0x124: {  	v10 =	vor.u32 v3, v10;
	v5 =	vand.u32 $0x7F, v11;
	v8 =	vld.idx.msk [tilespmem:v8+s14+$0x0], $0xffff  }
0x125: {  	v16 =	vld.idx.msk [tilespmem:v7+s13+$0x0], $0xffff;
	v11 =	vor.u32 v4, v5  }
0x126: {  	v18 =	vld.idx.msk [tilespmem:v7+s14+$0x0], $0xffff  }
0x127: {  	s22 =	simm.s32 $0x4;
	v20 =	vld.idx.msk [tilespmem:v13+s13+$0x0], $0xffff;
	v5 =	vor.u32 v3, v5  }
0x128: {  	v7 =	vadd.s32 s22, v0;
	v22 =	vld.idx.msk [tilespmem:v13+s14+$0x0], $0xffff  }
0x129: {  	v26 =	vld.idx.msk [tilespmem:v10+s13+$0x0], $0xffff;
	v7 =	vand.u32 $0x7F, v7  }
0x12a: {  	v13 =	vor.u32 v4, v7;
	v19 =	vld.idx.msk [tilespmem:v11+s13+$0x0], $0xffff  }
0x12b: {  	s20 =	simm.s32 $0x6;
	v21 =	vld.idx.msk [tilespmem:v11+s14+$0x0], $0xffff  }
0x12c: {  	v24 =	vor.u32 v3, v7;
	v7 =	vadd.s32 s20, v0;
	v23 =	vld.idx.msk [tilespmem:v5+s13+$0x0], $0xffff  }
0x12d: {  	v25 =	vld.idx.msk [tilespmem:v5+s14+$0x0], $0xffff;
	v5 =	vand.u32 $0x7F, v7  }
0x12e: {  	v27 =	vimm.f32 $0.0e+00;
	v29 =	vld.idx.msk [tilespmem:v10+s14+$0x0], $0xffff;
	s20 =	simm.s32 $0x5;
	v10 =	vmul.f32 v6, v9;
	v28 =	vor.u32 v4, v5  }
0x12f: {  	s22 =	simm.s32 $0x7;
	v30 =	vmul.f32 v14, v12;
	v9 =	vadd.s32 s20, v0;
	v11 =	vor.u32 v3, v5;
	v5 =	vld.idx.msk [tilespmem:v13+s13+$0x0], $0xffff  }
0x130: {  	v16 =	vmul.f32 v18, v16;
	v18 =	vmul.f32 v22, v20;
	v7 =	vadd.s32 s22, v0;
	v6 =	vld.idx.msk [tilespmem:v13+s14+$0x0], $0xffff  }
0x131: {  	v17 =	vand.u32 $0x7F, v9;
	v12 =	vand.u32 $0x7F, v7;
	v13 =	vmul.f32 v8, v15;
	v7 =	vld.idx.msk [tilespmem:v24+s13+$0x0], $0xffff  }
0x132: {  	v8 =	vld.idx.msk [tilespmem:v24+s14+$0x0], $0xffff;
	v15 =	vor.u32 v4, v12;
	v63 =	vmul.f32 v21, v19;
	v23 =	vmul.f32 v25, v23  }
0x133: {  	v14 =	vor.u32 v4, v17;
	v21 =	vadd.f32 v10, v27;
	v19 =	vadd.f32 v30, v27;
	v9 =	vld.idx.msk [tilespmem:v28+s13+$0x0], $0xffff  }
0x134: {  	s18 =	simm.s32 $0x8;
	v10 =	vld.idx.msk [tilespmem:v28+s14+$0x0], $0xffff;
	v22 =	vadd.f32 v63, v27;
	v20 =	vadd.f32 v23, v27;
	v23 =	vmul.f32 v29, v26  }
.LBB2_15:
0x135: {  	p0 =	sne.s32 s18, $0x7C;
	v24 =	vld.idx.msk [tilespmem:v11+s13+$0x0], $0xffff;
	v21 =	vadd.f32 v13, v21;
	v19 =	vadd.f32 v16, v19  }
0x136: {  	v13 =	vor.u32 v3, v17;
	v16 =	vld.idx.msk [tilespmem:v11+s14+$0x0], $0xffff;
	v22 =	vadd.f32 v18, v22;
	v20 =	vadd.f32 v23, v20  }
0x137: {  	v18 =	vld.idx.msk [tilespmem:v15+s13+$0x0], $0xffff  }
0x138: {  	v12 =	vor.u32 v3, v12;
	v11 =	vadd.s32 s18, v0;
	v23 =	vld.idx.msk [tilespmem:v15+s14+$0x0], $0xffff  }
0x139: {  	v11 =	vand.u32 $0x7F, v11;
	v25 =	vld.idx.msk [tilespmem:v14+s13+$0x0], $0xffff  }
0x13a: {  	v15 =	vor.u32 v4, v11;
	v26 =	vld.idx.msk [tilespmem:v14+s14+$0x0], $0xffff  }
0x13b: {  	s20 =	sadd.s32 $0x2, s18;
	v27 =	vld.idx.msk [tilespmem:v13+s13+$0x0], $0xffff  }
0x13c: {  	v14 =	vor.u32 v3, v11;
	v11 =	vadd.s32 s20, v0;
	v28 =	vld.idx.msk [tilespmem:v13+s14+$0x0], $0xffff  }
0x13d: {  	v11 =	vand.u32 $0x7F, v11;
	v29 =	vld.idx.msk [tilespmem:v12+s13+$0x0], $0xffff  }
0x13e: {  	s20 =	sadd.s32 $0x3, s18;
	v30 =	vor.u32 v4, v11;
	v11 =	vor.u32 v3, v11;
	v31 =	vld.idx.msk [tilespmem:v12+s14+$0x0], $0xffff  }
0x13f: {  	s22 =	sadd.s32 $0x1, s18;
	v32 =	vmul.f32 v6, v5;
	v33 =	vmul.f32 v8, v7;
	v12 =	vadd.s32 s20, v0;
	v5 =	vld.idx.msk [tilespmem:v15+s13+$0x0], $0xffff  }
.Ltmp6:
0x140: {  	v8 =	vadd.s32 s22, v0;
	v13 =	vmul.f32 v10, v9;
	v12 =	vand.u32 $0x7F, v12;
	v6 =	vld.idx.msk [tilespmem:v15+s14+$0x0], $0xffff;
	(pc) =	sbr.rel @p0 .LBB2_15-.Ltmp6, $4  }
0x141: {  	v17 =	vand.u32 $0x7F, v8;
	v16 =	vmul.f32 v16, v24;
	v15 =	vor.u32 v4, v12;
	v7 =	vld.idx.msk [tilespmem:v14+s13+$0x0], $0xffff  }
0x142: {  	v24 =	vmul.f32 v26, v25;
	v25 =	vmul.f32 v28, v27;
	v8 =	vld.idx.msk [tilespmem:v14+s14+$0x0], $0xffff;
	v14 =	vor.u32 v4, v17  }
0x143: {  	v21 =	vadd.f32 v32, v21;
	v19 =	vadd.f32 v33, v19;
	v18 =	vmul.f32 v23, v18;
	v9 =	vld.idx.msk [tilespmem:v30+s13+$0x0], $0xffff  }
0x144: {  	s18 =	sadd.s32 $0x4, s18;
	v22 =	vadd.f32 v24, v22;
	v20 =	vadd.f32 v25, v20;
	v23 =	vmul.f32 v31, v29;
	v10 =	vld.idx.msk [tilespmem:v30+s14+$0x0], $0xffff  }
0x145: {  	_ =	sdelay $0x3  }
0x146: {  	v4 =	vld.idx.msk [tilespmem:v11+s13+$0x0], $0xffff  }
0x147: {  	v17 =	vor.u32 v3, v17;
	v51 =	vld.idx.msk [tilespmem:v11+s14+$0x0], $0xffff  }
0x148: {  	v24 =	vld.idx.msk [tilespmem:v15+s13+$0x0], $0xffff  }
0x149: {  	v52 =	vld.idx.msk [tilespmem:v15+s14+$0x0], $0xffff;
	v3 =	vor.u32 v3, v12  }
0x14a: {  	v53 =	vld.idx.msk [tilespmem:v14+s13+$0x0], $0xffff  }
0x14b: {  	v54 =	vld.idx.msk [tilespmem:v14+s14+$0x0], $0xffff  }
0x14c: {  	v25 =	vld.idx.msk [tilespmem:v17+s13+$0x0], $0xffff  }
0x14d: {  	v17 =	vld.idx.msk [tilespmem:v17+s14+$0x0], $0xffff  }
0x14e: {  	v26 =	vld.idx.msk [tilespmem:v3+s13+$0x0], $0xffff  }
0x14f: {  	v13 =	vadd.f32 v13, v21;
	v3 =	vld.idx.msk [tilespmem:v3+s14+$0x0], $0xffff  }
0x150: {  	v16 =	vadd.f32 v16, v19;
	v5 =	vmul.f32 v6, v5;
	v56 =	vadd.f32 v18, v22  }
0x151: {  	v59 =	vadd.f32 v23, v20;
	v55 =	vmul.f32 v8, v7;
	v58 =	vmul.f32 v54, v53  }
0x152: {  	v5 =	vadd.f32 v5, v13;
	v57 =	vmul.f32 v10, v9;
	v60 =	vmul.f32 v17, v25  }
0x153: {  	v6 =	vadd.f32 v55, v16;
	v61 =	vmul.f32 v52, v24;
	v7 =	vadd.f32 v58, v56  }
0x154: {  	v4 =	vmul.f32 v51, v4;
	v3 =	vmul.f32 v3, v26;
	v62 =	vadd.f32 v60, v59  }
0x155: {  	v5 =	vadd.f32 v57, v5;
	v7 =	vadd.f32 v61, v7  }
0x156: {  	s3 =	sadd.s32 $0x1, s3;
	v4 =	vadd.f32 v4, v6;
	v3 =	vadd.f32 v3, v62  }
0x157: {  	p0 =	sne.s32 s3, $0x4;
	v5 =	vadd.f32 v7, v5  }
.Ltmp7:
0x158: {  	v3 =	vadd.f32 v3, v4;
	(pc) =	sbr.rel @p0 .LBB2_14-.Ltmp7, $4  }
0x159: {  	v63 =	vmul.f32 $7.812500000e-03, v5  }
0x15a: {  	v3 =	vmul.f32 $7.812500000e-03, v3  }
0x15b: {  	[tilespmem:s16+$0x18580] =	vst v63  }
0x15c: {  	[tilespmem:s16+$0x18590] =	vst v3  }
0x15d: {  	s31 =	sadd.s32 $0x1, s31  }
0x15e: {  	p0 =	sne.s32 s31, s8  }
.Ltmp8:
0x15f: {  	_ = 	snop;
	(pc) =	sbr.rel @p0 .LBB2_1-.Ltmp8, $4  }
0x160: {  	[hbm4b:s7+s4] =	stream.linear.scatter [tilespmem:s29], [sflag:$0x7], $0x200, $0x38;
	[tilespmem:$0x18600] =	vst v63  }
0x161: {  	_ =	swait.ge [sflag:s30], $0x200  }
0x162: {  	[sflag:s30] =	ssyncset.done $0x0  }
0x163: {  	[sflag:s30] =	ssyncadd.s32 $0xFFFFFE00  }
0x164: {  	_ =	sfence.sel $0x180000  }
0x165: {  	[bflag:$0x0] =	sbarrier.arrive $0xFFFF  }
0x166: {  	_ =	strace $0x90000047  }
0x167: {  	s0 =	stileid.u32;
	[bflag:$0x2] =	sbarrier.arrive $0xFFFF  }
0x168: {  	p0 =	sne.s32 s0, $0x0;
	s0 =	rddreg [dreg:$0x5]  }
0x169: {  	s0 =	sadd.s32 @!p0 $0x100000, s0  }
0x16a: {  	[sflag:s0] =	ssyncadd.tile.s32 @!p0 $0x1;
	_ =	shalt  }
.Lfunc_end2:
_tile_overlayer_lowered:
.L_overlay_start_2:
0x16b: {  	(tag) =	ssettag $0x2  }
0x16c: {  	s0 =	rddreg [dreg:$0x0];
	s2 =	stileid.u32  }
0x16d: {  	s1 =	rddreg [dreg:$0x1];
	p0 =	sne.s32 s2, $0x0  }
0x16e: {  	s3 =	rddreg [dreg:$0x2];
	[bflag:$0x3] =	sbarrier.arrive $0xFFFF;
	s2 =	simm.s32 @!p0 $0x1C07  }
0x16f: {  	[timem:s3], [sflag:s2] =	dma.local @!p0 [hbm:s0], s1  }
0x170: {  	s0 =	simm.s32 @!p0 $0x7  }
0x171: {  	_ =	swait.ge @!p0 [sflag:s0], s1  }
0x172: {  	s1 =	ssub.s32 @!p0 $0x0, s1;
	[sflag:s0] =	ssyncset.done @!p0 $0x0  }
0x173: {  	[sflag:s0] =	ssyncadd.s32 @!p0 s1  }
0x174: {  	[bflag:$0x3] =	sbarrier.arrive $0xFFFF  }
0x175: {  	_ =	shalt  }

</sc_bundles>
